<compile_context>
chip_gen: v7x
topology: tpu7x:2x2x1
jax: 0.10.2.dev20260603
libtpu: 0.0.44.dev20260713+nightly
codegen_flags: <defaults>
</compile_context>

<pallas_src>
import jax
import jax.numpy as jnp
from jax import lax
from jax.experimental import pallas as pl
from jax.experimental.pallas import tpu as pltpu
from jax.experimental.pallas import tpu_sc as plsc

N = 10000
D = 128
E = 320000
F = D // 2
NPAD = 10240
NPT = NPAD // 16
W = 128
ROWS_PER_TILE = 160
EROWS = 16 * ROWS_PER_TILE
EPAD = EROWS * W
CNTW = 16
K = 2
NGRP = ROWS_PER_TILE // K

_F32 = jnp.float32


def _edge_loop(tab_sh, src_hbm, dst_hbm, row0,
               src_c, dst_c, acc, msg, gsem, ssem, isem, count_fn):

    def load_chunk_sync(h):
        slot = h % 3
        pltpu.sync_copy(src_hbm.at[pl.ds(row0 + h * K, K)], src_c.at[slot])
        pltpu.sync_copy(dst_hbm.at[pl.ds(row0 + h * K, K)], dst_c.at[slot])

    def issue_gathers(h, p):
        slot = lax.rem(h, 3)

        @pl.loop(0, K)
        def _(t):
            dbuf = msg.at[p, pl.ds(t * W, W)]
            pltpu.async_copy(tab_sh.at[src_c.at[slot, t]], dbuf, gsem)

    def wait_gathers():
        @pl.loop(0, K)
        def _(t):
            pltpu.make_async_copy(
                tab_sh.at[src_c.at[0, 0]], msg.at[0, pl.ds(0, W)],
                gsem).wait()

    def wait_scatters():
        @pl.loop(0, K)
        def _(t):
            pltpu.make_async_copy(
                msg.at[0, pl.ds(0, W)], acc.at[dst_c.at[0, 0]], ssem).wait()

    load_chunk_sync(0)
    load_chunk_sync(1)
    issue_gathers(0, 0)

    @pl.loop(0, NGRP)
    def _(h):
        p = lax.rem(h, 2)
        wait_gathers()

        @pl.when(h > 0)
        def _():
            wait_scatters()

        @pl.when(jnp.logical_and(h >= 1, h + 1 < NGRP))
        def _():
            pltpu.make_async_copy(
                src_hbm.at[pl.ds(row0, K)], src_c.at[0], isem).wait()
            pltpu.make_async_copy(
                dst_hbm.at[pl.ds(row0, K)], dst_c.at[0], isem).wait()

        @pl.when(h + 2 < NGRP)
        def _():
            slot = lax.rem(h + 2, 3)
            pltpu.async_copy(
                src_hbm.at[pl.ds(row0 + (h + 2) * K, K)], src_c.at[slot],
                isem)
            pltpu.async_copy(
                dst_hbm.at[pl.ds(row0 + (h + 2) * K, K)], dst_c.at[slot],
                isem)

        @pl.when(h + 1 < NGRP)
        def _():
            issue_gathers(h + 1, 1 - p)

        dslot = lax.rem(h, 3)

        @pl.loop(0, K)
        def _(t):
            pltpu.async_copy(msg.at[p, pl.ds(t * W, W)],
                             acc.at[dst_c.at[dslot, t]], ssem, add=True)
            count_fn(dslot, t)

    wait_scatters()


B = 128
NBLK = NPT // B


def _fill_rows(buf2d, rows, width, value):
    v16 = jnp.full((16,), value, dtype=_F32)

    @pl.loop(0, rows)
    def _(i):
        @pl.loop(0, width // 16)
        def _(k):
            buf2d[i, pl.ds(k * 16, 16)] = v16


def _zero_shared(node0, blk, zc, tgt_f, tgt_c):

    @pl.loop(0, NBLK)
    def _(b):
        base = node0 + b * B
        if tgt_f is not None:
            pltpu.sync_copy(blk, tgt_f.at[pl.ds(base, B)])
        if zc is not None and tgt_c is not None:
            pltpu.sync_copy(zc, tgt_c.at[pl.ds(base, B)])


def _scale_block(blk, rbuf):
    @pl.loop(0, B)
    def _(i):
        r = rbuf[i]

        @pl.loop(0, F // 16)
        def _(k):
            sl = pl.ds(k * 16, 16)
            blk[i, sl] = blk[i, sl] * r


def _stage_table(c, s, src_l, src_r, tab_sh):
    node0 = s * NPT

    @pl.when(c == 0)
    def _():
        pltpu.sync_copy(src_l.at[pl.ds(node0, NPT)],
                        tab_sh.at[pl.ds(node0, NPT)])

    @pl.when(c == 1)
    def _():
        pltpu.sync_copy(src_r.at[pl.ds(node0, NPT)],
                        tab_sh.at[pl.ds(node0, NPT)])


def _both_layers(xl_hbm, xr_hbm, src_hbm, dst_hbm,
                 zl_hbm, zr_hbm,
                 src_c, dst_c, rbuf, ones_v, msg,
                 x_sh, acc, cnt_sh, gsem, ssem, csem, isem):
    c = lax.axis_index("c")
    s = lax.axis_index("s")
    node0 = s * NPT
    row0 = s * ROWS_PER_TILE

    blk = msg.at[0, pl.ds(0, B)]
    blk2d = msg.at[0]

    def fill_blk(value):
        v16 = jnp.full((16,), value, dtype=_F32)

        @pl.loop(0, B)
        def _(i):
            @pl.loop(0, F // 16)
            def _(k):
                blk2d[i, pl.ds(k * 16, 16)] = v16

    _stage_table(c, s, xl_hbm, xr_hbm, x_sh)

    fill_blk(0.0)
    _fill_rows(rbuf, B, CNTW, 0.0)
    _zero_shared(node0, blk, rbuf, acc, cnt_sh)
    _fill_rows(ones_v, W, CNTW, 1.0)

    plsc.subcore_barrier()

    def count(dslot, t):
        pltpu.async_copy(ones_v, cnt_sh.at[dst_c.at[dslot, t]], csem,
                         add=True)

    _edge_loop(x_sh, src_hbm, dst_hbm, row0,
               src_c, dst_c, acc, msg, gsem, ssem, isem, count)

    @pl.loop(0, ROWS_PER_TILE)
    def _(j):
        pltpu.make_async_copy(
            ones_v, cnt_sh.at[dst_c.at[0, 0]], csem).wait()

    plsc.subcore_barrier()

    @pl.loop(0, NBLK)
    def _(b):
        base = node0 + b * B
        pltpu.sync_copy(cnt_sh.at[pl.ds(base, B)], rbuf)

        @pl.loop(0, B)
        def _(i):
            rbuf[i] = 1.0 / jnp.maximum(rbuf[i], 1.0)

        pltpu.sync_copy(rbuf, cnt_sh.at[pl.ds(base, B)])
        pltpu.sync_copy(acc.at[pl.ds(base, B)], blk)
        _scale_block(blk2d, rbuf)
        pltpu.sync_copy(blk, acc.at[pl.ds(base, B)])

    fill_blk(0.0)
    _zero_shared(node0, blk, None, x_sh, None)

    plsc.subcore_barrier()

    _edge_loop(acc, src_hbm, dst_hbm, row0,
               src_c, dst_c, x_sh, msg, gsem, ssem, isem,
               lambda dslot, t: None)

    plsc.subcore_barrier()

    @pl.loop(0, NBLK)
    def _(b):
        base = node0 + b * B
        pltpu.sync_copy(cnt_sh.at[pl.ds(base, B)], rbuf)
        pltpu.sync_copy(x_sh.at[pl.ds(base, B)], blk)
        _scale_block(blk2d, rbuf)

        @pl.when(c == 0)
        def _():
            pltpu.sync_copy(blk, zl_hbm.at[pl.ds(base, B)])

        @pl.when(c == 1)
        def _():
            pltpu.sync_copy(blk, zr_hbm.at[pl.ds(base, B)])


_MESH = plsc.VectorSubcoreMesh(core_axis_name="c", subcore_axis_name="s")
_CP = pltpu.CompilerParams(use_tc_tiling_on_sc=False)
_HALF = jax.ShapeDtypeStruct((NPAD, F), _F32)


@jax.jit
def _run(xl, xr, src2d, dst2d):
    k = pl.kernel(
        _both_layers,
        out_type=(_HALF, _HALF),
        mesh=_MESH,
        compiler_params=_CP,
        scratch_types=[
            pltpu.VMEM((3, K, W), jnp.int32),
            pltpu.VMEM((3, K, W), jnp.int32),
            pltpu.VMEM((B, CNTW), _F32),
            pltpu.VMEM((W, CNTW), _F32),
            pltpu.VMEM((2, K * W, F), _F32),
            pltpu.VMEM_SHARED((NPAD, F), _F32),
            pltpu.VMEM_SHARED((NPAD, F), _F32),
            pltpu.VMEM_SHARED((NPAD, CNTW), _F32),
            pltpu.SemaphoreType.DMA,
            pltpu.SemaphoreType.DMA,
            pltpu.SemaphoreType.DMA,
            pltpu.SemaphoreType.DMA,
        ],
    )
    zl, zr = k(xl, xr, src2d, dst2d)
    return jnp.concatenate([zl[:N], zr[:N]], axis=1)


def kernel(x, edge_index):
    x = x.astype(_F32)
    src = edge_index[0].astype(jnp.int32)
    dst = edge_index[1].astype(jnp.int32)
    src = jnp.pad(src, (0, EPAD - E)).reshape(EROWS, W)
    dst = jnp.pad(dst, (0, EPAD - E),
                  constant_values=NPAD - 1).reshape(EROWS, W)
    xp = jnp.pad(x, ((0, NPAD - N), (0, 0)))
    return _run(xp[:, :F], xp[:, F:], src, dst)

# --- scband reference (transcript-rebuilt; emitter-appended) ---
"""Pipeline reference for scband-multi-aggregator-8272107012822 (READ-ONLY COPY).

The authoritative reference and input builder live on the scoring server;
editing this copy changes nothing except your own understanding.
"""

import jax, jax.numpy as jnp
import numpy as np

N = 10000
E = 320000
D = 128
NUM_LAYERS = 2


def setup_inputs(seed: int = 0) -> dict:
    key = jax.random.key(seed)
    k1, k2 = jax.random.split(key)
    x = jax.random.normal(k1, (N, D), dtype=jnp.float32)
    edge_index = jax.random.randint(k2, (2, E), 0, N)
    return {"x": x, "edge_index": edge_index}


def reference(x, edge_index):
    # MultiAggregator: num_layers stacked mean-aggregation message-passing layers.
    # PyG default flow 'source_to_target': messages x_j = x[edge_index[0]],
    # aggregated (mean) at destination nodes edge_index[1].
    src = edge_index[0]
    dst = edge_index[1]
    ones = jnp.ones((E,), dtype=x.dtype)
    cnt = jax.ops.segment_sum(ones, dst, num_segments=N)
    denom = jnp.clip(cnt, 1.0, None)[:, None]  # zero-degree nodes -> 0 output
    for _ in range(NUM_LAYERS):
        msg = jnp.take(x, src, axis=0)           # gather (x_j)
        s = jax.ops.segment_sum(msg, dst, num_segments=N)  # scatter-add
        x = s / denom                             # mean aggregation
    return x

if __name__ == "__main__":
    import jax
    _d = setup_inputs()
    print(jax.jit(kernel)(*tuple(_d.values())))

</pallas_src>

<mosaic_0001>
#map = affine_map<(d0, d1) -> (0, 0)>
module attributes {stable_mosaic.version = 14 : i64} {
  func.func @_both_layers(%arg0: i32, %arg1: i32, %arg2: memref<10240x64xf32, #tpu.memory_space<hbm>>, %arg3: memref<10240x64xf32, #tpu.memory_space<hbm>>, %arg4: memref<2560x128xi32, #tpu.memory_space<hbm>>, %arg5: memref<2560x128xi32, #tpu.memory_space<hbm>>, %arg6: memref<10240x64xf32, #tpu.memory_space<hbm>>, %arg7: memref<10240x64xf32, #tpu.memory_space<hbm>>, %arg8: memref<3x2x128xi32, #tpu.memory_space<vmem>>, %arg9: memref<3x2x128xi32, #tpu.memory_space<vmem>>, %arg10: memref<128x16xf32, #tpu.memory_space<vmem>>, %arg11: memref<128x16xf32, #tpu.memory_space<vmem>>, %arg12: memref<2x256x64xf32, #tpu.memory_space<vmem>>, %arg13: memref<10240x64xf32, #tpu.memory_space<vmem_shared>>, %arg14: memref<10240x64xf32, #tpu.memory_space<vmem_shared>>, %arg15: memref<10240x16xf32, #tpu.memory_space<vmem_shared>>, %arg16: memref<!tpu.dma_semaphore, #tpu.memory_space<semaphore_mem>>, %arg17: memref<!tpu.dma_semaphore, #tpu.memory_space<semaphore_mem>>, %arg18: memref<!tpu.dma_semaphore, #tpu.memory_space<semaphore_mem>>, %arg19: memref<!tpu.dma_semaphore, #tpu.memory_space<semaphore_mem>>) attributes {dimension_semantics = [#tpu.dimension_semantics<core_parallel>, #tpu.dimension_semantics<subcore_parallel>], iteration_bounds = array<i64: 2, 16>, scalar_prefetch = 0 : i64, scratch_operands = 12 : i64, tpu.core_type = #tpu.core_type<sc_vector_subcore>, window_params = [{transform_indices = #map}, {transform_indices = #map}, {transform_indices = #map}, {transform_indices = #map}, {transform_indices = #map}, {transform_indices = #map}]} {
    %mul3A = arith.constant 640 : i32
    %mul3A_0 = arith.muli %arg1, %mul3A : i32
    %mul3A_1 = arith.constant 160 : i32
    %mul3A_2 = arith.muli %arg1, %mul3A_1 : i32
    %mul3A_3 = arith.constant 640 : i32
    %mul3A_4 = arith.muli %arg1, %mul3A_3 : i32
    %eq3A = arith.constant 0 : i32
    %eq3A_5 = arith.cmpi eq, %arg0, %eq3A : i32
    %convert_element_type3A = arith.extui %eq3A_5 : i1 to i32
    %cond3A = arith.constant 0 : i32
    %cond3A_6 = arith.cmpi ne, %convert_element_type3A, %cond3A : i32
    scf.if %cond3A_6 {
      "tpu.region"() ({
        %run_scoped3A_131 = tpu.sem_alloc : memref<!tpu.dma_semaphore, #tpu.memory_space<semaphore_mem>>
        %dma_start3A = arith.constant 0 : i32
        %dma_start3A_132 = tpu.memref_slice %arg13[%mul3A_4, %dma_start3A] : memref<10240x64xf32, #tpu.memory_space<vmem_shared>> -> memref<640x64xf32, #tpu.memory_space<vmem_shared>>
        %dma_start3A_133 = arith.constant 0 : i32
        %dma_start3A_134 = tpu.memref_slice %arg2[%mul3A_4, %dma_start3A_133] : memref<10240x64xf32, #tpu.memory_space<hbm>> -> memref<640x64xf32, #tpu.memory_space<hbm>>
        tpu.enqueue_dma source(%dma_start3A_134 : memref<640x64xf32, #tpu.memory_space<hbm>>) target(%dma_start3A_132 : memref<640x64xf32, #tpu.memory_space<vmem_shared>>) target_semaphore(%run_scoped3A_131 : memref<!tpu.dma_semaphore, #tpu.memory_space<semaphore_mem>>)
        %dma_wait3A = arith.constant 0 : i32
        %dma_wait3A_135 = tpu.memref_slice %arg13[%mul3A_4, %dma_wait3A] : memref<10240x64xf32, #tpu.memory_space<vmem_shared>> -> memref<640x64xf32, #tpu.memory_space<vmem_shared>>
        %dma_wait3A_136 = arith.constant 0 : i32
        %dma_wait3A_137 = tpu.memref_slice %arg2[%mul3A_4, %dma_wait3A_136] : memref<10240x64xf32, #tpu.memory_space<hbm>> -> memref<640x64xf32, #tpu.memory_space<hbm>>
        tpu.wait_dma2 semaphore(%run_scoped3A_131 : memref<!tpu.dma_semaphore, #tpu.memory_space<semaphore_mem>>) src(%dma_wait3A_137 : memref<640x64xf32, #tpu.memory_space<hbm>>) dst(%dma_wait3A_135 : memref<640x64xf32, #tpu.memory_space<vmem_shared>>)
        tpu.yield
      }) : () -> ()
    } else {
    }
    %eq3A_7 = arith.constant 1 : i32
    %eq3A_8 = arith.cmpi eq, %arg0, %eq3A_7 : i32
    %convert_element_type3A_9 = arith.extui %eq3A_8 : i1 to i32
    %cond3A_10 = arith.constant 0 : i32
    %cond3A_11 = arith.cmpi ne, %convert_element_type3A_9, %cond3A_10 : i32
    scf.if %cond3A_11 {
      "tpu.region"() ({
        %run_scoped3A_131 = tpu.sem_alloc : memref<!tpu.dma_semaphore, #tpu.memory_space<semaphore_mem>>
        %dma_start3A = arith.constant 0 : i32
        %dma_start3A_132 = tpu.memref_slice %arg13[%mul3A_4, %dma_start3A] : memref<10240x64xf32, #tpu.memory_space<vmem_shared>> -> memref<640x64xf32, #tpu.memory_space<vmem_shared>>
        %dma_start3A_133 = arith.constant 0 : i32
        %dma_start3A_134 = tpu.memref_slice %arg3[%mul3A_4, %dma_start3A_133] : memref<10240x64xf32, #tpu.memory_space<hbm>> -> memref<640x64xf32, #tpu.memory_space<hbm>>
        tpu.enqueue_dma source(%dma_start3A_134 : memref<640x64xf32, #tpu.memory_space<hbm>>) target(%dma_start3A_132 : memref<640x64xf32, #tpu.memory_space<vmem_shared>>) target_semaphore(%run_scoped3A_131 : memref<!tpu.dma_semaphore, #tpu.memory_space<semaphore_mem>>)
        %dma_wait3A = arith.constant 0 : i32
        %dma_wait3A_135 = tpu.memref_slice %arg13[%mul3A_4, %dma_wait3A] : memref<10240x64xf32, #tpu.memory_space<vmem_shared>> -> memref<640x64xf32, #tpu.memory_space<vmem_shared>>
        %dma_wait3A_136 = arith.constant 0 : i32
        %dma_wait3A_137 = tpu.memref_slice %arg3[%mul3A_4, %dma_wait3A_136] : memref<10240x64xf32, #tpu.memory_space<hbm>> -> memref<640x64xf32, #tpu.memory_space<hbm>>
        tpu.wait_dma2 semaphore(%run_scoped3A_131 : memref<!tpu.dma_semaphore, #tpu.memory_space<semaphore_mem>>) src(%dma_wait3A_137 : memref<640x64xf32, #tpu.memory_space<hbm>>) dst(%dma_wait3A_135 : memref<640x64xf32, #tpu.memory_space<vmem_shared>>)
        tpu.yield
      }) : () -> ()
    } else {
    }
    %broadcast_in_dim3A = arith.constant 0.000000e+00 : f32
    %broadcast_in_dim3A_12 = vector.broadcast %broadcast_in_dim3A : f32 to vector<16xf32>
    %scan3A = arith.constant 0 : i32
    %scan3A_13 = arith.constant 0 : i32
    %scan3A_14 = arith.constant 128 : i32
    %scan3A_15 = arith.addi %scan3A_13, %scan3A_14 : i32
    %scan3A_16 = arith.constant 1 : i32
    scf.for %scan3A_131 = %scan3A_13 to %scan3A_15 step %scan3A_16  : i32 {
      %mul3A_132 = arith.constant 1 : i32
      %mul3A_133 = arith.muli %scan3A_131, %mul3A_132 : i32
      %add3A_134 = arith.constant 0 : i32
      %add3A_135 = arith.addi %add3A_134, %mul3A_133 : i32
      %scan3A_136 = arith.constant 0 : i32
      %scan3A_137 = arith.constant 4 : i32
      %scan3A_138 = arith.addi %scan3A_136, %scan3A_137 : i32
      %scan3A_139 = arith.constant 1 : i32
      scf.for %scan3A_141 = %scan3A_136 to %scan3A_138 step %scan3A_139  : i32 {
        %mul3A_142 = arith.constant 1 : i32
        %mul3A_143 = arith.muli %scan3A_141, %mul3A_142 : i32
        %add3A_144 = arith.constant 0 : i32
        %add3A_145 = arith.addi %add3A_144, %mul3A_143 : i32
        %mul3A_146 = arith.constant 16 : i32
        %mul3A_147 = arith.muli %add3A_145, %mul3A_146 : i32
        %swap3A = arith.constant 0 : i32
        %swap3A_148 = arith.constant 0 : i32
        %swap3A_149 = tpu.memref_slice %arg12[%scan3A, %swap3A, %swap3A_148] : memref<2x256x64xf32, #tpu.memory_space<vmem>> -> memref<1x256x64xf32, #tpu.memory_space<vmem>>
        %swap3A_150 = tpu.memref_squeeze %swap3A_149 : memref<1x256x64xf32, #tpu.memory_space<vmem>> -> memref<256x64xf32, #tpu.memory_space<vmem>>
        %swap3A_151 = arith.index_cast %add3A_135 : i32 to index
        %swap3A_152 = arith.index_cast %mul3A_147 : i32 to index
        %swap3A_153 = tpu.vector_load %swap3A_150[%swap3A_151, %swap3A_152] {strides = array<i32>} : memref<256x64xf32, #tpu.memory_space<vmem>>, vector<1x16xf32>,
        %swap3A_154 = vector.shape_cast %swap3A_153 : vector<1x16xf32> to vector<16xf32>
        %swap3A_155 = vector.shape_cast %broadcast_in_dim3A_12 : vector<16xf32> to vector<1x16xf32>
        tpu.vector_store %swap3A_150[%swap3A_151, %swap3A_152], %swap3A_155 {strides = array<i32>} : memref<256x64xf32, #tpu.memory_space<vmem>>, vector<1x16xf32>,
      }
      %scan3A_140 = arith.constant 4 : i32
    }
    %scan3A_17 = arith.constant 128 : i32
    %broadcast_in_dim3A_18 = arith.constant 0.000000e+00 : f32
    %broadcast_in_dim3A_19 = vector.broadcast %broadcast_in_dim3A_18 : f32 to vector<16xf32>
    %scan3A_20 = arith.constant 0 : i32
    %scan3A_21 = arith.constant 128 : i32
    %scan3A_22 = arith.addi %scan3A_20, %scan3A_21 : i32
    %scan3A_23 = arith.constant 1 : i32
    scf.for %scan3A_131 = %scan3A_20 to %scan3A_22 step %scan3A_23  : i32 {
      %mul3A_132 = arith.constant 1 : i32
      %mul3A_133 = arith.muli %scan3A_131, %mul3A_132 : i32
      %add3A_134 = arith.constant 0 : i32
      %add3A_135 = arith.addi %add3A_134, %mul3A_133 : i32
      %scan3A_136 = arith.constant 0 : i32
      %mul3A_137 = arith.constant 1 : i32
      %mul3A_138 = arith.muli %scan3A_136, %mul3A_137 : i32
      %add3A_139 = arith.constant 0 : i32
      %add3A_140 = arith.addi %add3A_139, %mul3A_138 : i32
      %mul3A_141 = arith.constant 16 : i32
      %mul3A_142 = arith.muli %add3A_140, %mul3A_141 : i32
      %swap3A = arith.index_cast %add3A_135 : i32 to index
      %swap3A_143 = arith.index_cast %mul3A_142 : i32 to index
      %swap3A_144 = tpu.vector_load %arg10[%swap3A, %swap3A_143] {strides = array<i32>} : memref<128x16xf32, #tpu.memory_space<vmem>>, vector<1x16xf32>,
      %swap3A_145 = vector.shape_cast %swap3A_144 : vector<1x16xf32> to vector<16xf32>
      %swap3A_146 = vector.shape_cast %broadcast_in_dim3A_19 : vector<16xf32> to vector<1x16xf32>
      tpu.vector_store %arg10[%swap3A, %swap3A_143], %swap3A_146 {strides = array<i32>} : memref<128x16xf32, #tpu.memory_space<vmem>>, vector<1x16xf32>,
      %scan3A_147 = arith.constant 1 : i32
    }
    %scan3A_24 = arith.constant 128 : i32
    %scan3A_25 = arith.constant 0 : i32
    %scan3A_26 = arith.constant 0 : i32
    %scan3A_27 = arith.constant 5 : i32
    %scan3A_28 = arith.addi %scan3A_26, %scan3A_27 : i32
    %scan3A_29 = arith.constant 1 : i32
    scf.for %scan3A_131 = %scan3A_26 to %scan3A_28 step %scan3A_29  : i32 {
      %mul3A_132 = arith.constant 1 : i32
      %mul3A_133 = arith.muli %scan3A_131, %mul3A_132 : i32
      %add3A_134 = arith.constant 0 : i32
      %add3A_135 = arith.addi %add3A_134, %mul3A_133 : i32
      %mul3A_136 = arith.constant 128 : i32
      %mul3A_137 = arith.muli %add3A_135, %mul3A_136 : i32
      %add3A_138 = arith.addi %mul3A_0, %mul3A_137 : i32
      "tpu.region"() ({
        %run_scoped3A_139 = tpu.sem_alloc : memref<!tpu.dma_semaphore, #tpu.memory_space<semaphore_mem>>
        %dma_start3A = arith.constant 0 : i32
        %dma_start3A_140 = arith.constant 0 : i32
        %dma_start3A_141 = tpu.memref_slice %arg12[%scan3A_25, %dma_start3A, %dma_start3A_140] : memref<2x256x64xf32, #tpu.memory_space<vmem>> -> memref<1x128x64xf32, #tpu.memory_space<vmem>>
        %dma_start3A_142 = tpu.memref_squeeze %dma_start3A_141 : memref<1x128x64xf32, #tpu.memory_space<vmem>> -> memref<128x64xf32, #tpu.memory_space<vmem>>
        %dma_start3A_143 = arith.constant 0 : i32
        %dma_start3A_144 = tpu.memref_slice %arg14[%add3A_138, %dma_start3A_143] : memref<10240x64xf32, #tpu.memory_space<vmem_shared>> -> memref<128x64xf32, #tpu.memory_space<vmem_shared>>
        %dma_start3A_145 = arith.constant 0 : i32
        %dma_start3A_146 = tpu.memref_slice %arg14[%add3A_138, %dma_start3A_145] : memref<10240x64xf32, #tpu.memory_space<vmem_shared>> -> memref<128x64xf32, #tpu.memory_space<vmem_shared>>
        %dma_start3A_147 = arith.constant 0 : i32
        %dma_start3A_148 = arith.constant 0 : i32
        %dma_start3A_149 = tpu.memref_slice %arg12[%scan3A_25, %dma_start3A_147, %dma_start3A_148] : memref<2x256x64xf32, #tpu.memory_space<vmem>> -> memref<1x128x64xf32, #tpu.memory_space<vmem>>
        %dma_start3A_150 = tpu.memref_squeeze %dma_start3A_149 : memref<1x128x64xf32, #tpu.memory_space<vmem>> -> memref<128x64xf32, #tpu.memory_space<vmem>>
        tpu.enqueue_dma source(%dma_start3A_150 : memref<128x64xf32, #tpu.memory_space<vmem>>) target(%dma_start3A_146 : memref<128x64xf32, #tpu.memory_space<vmem_shared>>) target_semaphore(%run_scoped3A_139 : memref<!tpu.dma_semaphore, #tpu.memory_space<semaphore_mem>>)
        %dma_wait3A = arith.constant 0 : i32
        %dma_wait3A_151 = arith.constant 0 : i32
        %dma_wait3A_152 = tpu.memref_slice %arg12[%scan3A_25, %dma_wait3A, %dma_wait3A_151] : memref<2x256x64xf32, #tpu.memory_space<vmem>> -> memref<1x128x64xf32, #tpu.memory_space<vmem>>
        %dma_wait3A_153 = tpu.memref_squeeze %dma_wait3A_152 : memref<1x128x64xf32, #tpu.memory_space<vmem>> -> memref<128x64xf32, #tpu.memory_space<vmem>>
        %dma_wait3A_154 = arith.constant 0 : i32
        %dma_wait3A_155 = tpu.memref_slice %arg14[%add3A_138, %dma_wait3A_154] : memref<10240x64xf32, #tpu.memory_space<vmem_shared>> -> memref<128x64xf32, #tpu.memory_space<vmem_shared>>
        %dma_wait3A_156 = arith.constant 0 : i32
        %dma_wait3A_157 = tpu.memref_slice %arg14[%add3A_138, %dma_wait3A_156] : memref<10240x64xf32, #tpu.memory_space<vmem_shared>> -> memref<128x64xf32, #tpu.memory_space<vmem_shared>>
        %dma_wait3A_158 = arith.constant 0 : i32
        %dma_wait3A_159 = arith.constant 0 : i32
        %dma_wait3A_160 = tpu.memref_slice %arg12[%scan3A_25, %dma_wait3A_158, %dma_wait3A_159] : memref<2x256x64xf32, #tpu.memory_space<vmem>> -> memref<1x128x64xf32, #tpu.memory_space<vmem>>
        %dma_wait3A_161 = tpu.memref_squeeze %dma_wait3A_160 : memref<1x128x64xf32, #tpu.memory_space<vmem>> -> memref<128x64xf32, #tpu.memory_space<vmem>>
        tpu.wait_dma2 semaphore(%run_scoped3A_139 : memref<!tpu.dma_semaphore, #tpu.memory_space<semaphore_mem>>) src(%dma_wait3A_161 : memref<128x64xf32, #tpu.memory_space<vmem>>) dst(%dma_wait3A_157 : memref<128x64xf32, #tpu.memory_space<vmem_shared>>)
        tpu.yield
      }) : () -> ()
      "tpu.region"() ({
        %run_scoped3A_139 = tpu.sem_alloc : memref<!tpu.dma_semaphore, #tpu.memory_space<semaphore_mem>>
        %dma_start3A = arith.constant 0 : i32
        %dma_start3A_140 = tpu.memref_slice %arg15[%add3A_138, %dma_start3A] : memref<10240x16xf32, #tpu.memory_space<vmem_shared>> -> memref<128x16xf32, #tpu.memory_space<vmem_shared>>
        %dma_start3A_141 = arith.constant 0 : i32
        %dma_start3A_142 = tpu.memref_slice %arg15[%add3A_138, %dma_start3A_141] : memref<10240x16xf32, #tpu.memory_space<vmem_shared>> -> memref<128x16xf32, #tpu.memory_space<vmem_shared>>
        tpu.enqueue_dma source(%arg10 : memref<128x16xf32, #tpu.memory_space<vmem>>) target(%dma_start3A_142 : memref<128x16xf32, #tpu.memory_space<vmem_shared>>) target_semaphore(%run_scoped3A_139 : memref<!tpu.dma_semaphore, #tpu.memory_space<semaphore_mem>>)
        %dma_wait3A = arith.constant 0 : i32
        %dma_wait3A_143 = tpu.memref_slice %arg15[%add3A_138, %dma_wait3A] : memref<10240x16xf32, #tpu.memory_space<vmem_shared>> -> memref<128x16xf32, #tpu.memory_space<vmem_shared>>
        %dma_wait3A_144 = arith.constant 0 : i32
        %dma_wait3A_145 = tpu.memref_slice %arg15[%add3A_138, %dma_wait3A_144] : memref<10240x16xf32, #tpu.memory_space<vmem_shared>> -> memref<128x16xf32, #tpu.memory_space<vmem_shared>>
        tpu.wait_dma2 semaphore(%run_scoped3A_139 : memref<!tpu.dma_semaphore, #tpu.memory_space<semaphore_mem>>) src(%arg10 : memref<128x16xf32, #tpu.memory_space<vmem>>) dst(%dma_wait3A_145 : memref<128x16xf32, #tpu.memory_space<vmem_shared>>)
        tpu.yield
      }) : () -> ()
    }
    %scan3A_30 = arith.constant 5 : i32
    %broadcast_in_dim3A_31 = arith.constant 1.000000e+00 : f32
    %broadcast_in_dim3A_32 = vector.broadcast %broadcast_in_dim3A_31 : f32 to vector<16xf32>
    %scan3A_33 = arith.constant 0 : i32
    %scan3A_34 = arith.constant 128 : i32
    %scan3A_35 = arith.addi %scan3A_33, %scan3A_34 : i32
    %scan3A_36 = arith.constant 1 : i32
    scf.for %scan3A_131 = %scan3A_33 to %scan3A_35 step %scan3A_36  : i32 {
      %mul3A_132 = arith.constant 1 : i32
      %mul3A_133 = arith.muli %scan3A_131, %mul3A_132 : i32
      %add3A_134 = arith.constant 0 : i32
      %add3A_135 = arith.addi %add3A_134, %mul3A_133 : i32
      %scan3A_136 = arith.constant 0 : i32
      %mul3A_137 = arith.constant 1 : i32
      %mul3A_138 = arith.muli %scan3A_136, %mul3A_137 : i32
      %add3A_139 = arith.constant 0 : i32
      %add3A_140 = arith.addi %add3A_139, %mul3A_138 : i32
      %mul3A_141 = arith.constant 16 : i32
      %mul3A_142 = arith.muli %add3A_140, %mul3A_141 : i32
      %swap3A = arith.index_cast %add3A_135 : i32 to index
      %swap3A_143 = arith.index_cast %mul3A_142 : i32 to index
      %swap3A_144 = tpu.vector_load %arg11[%swap3A, %swap3A_143] {strides = array<i32>} : memref<128x16xf32, #tpu.memory_space<vmem>>, vector<1x16xf32>,
      %swap3A_145 = vector.shape_cast %swap3A_144 : vector<1x16xf32> to vector<16xf32>
      %swap3A_146 = vector.shape_cast %broadcast_in_dim3A_32 : vector<16xf32> to vector<1x16xf32>
      tpu.vector_store %arg11[%swap3A, %swap3A_143], %swap3A_146 {strides = array<i32>} : memref<128x16xf32, #tpu.memory_space<vmem>>, vector<1x16xf32>,
      %scan3A_147 = arith.constant 1 : i32
    }
    %scan3A_37 = arith.constant 128 : i32
    %barrier3A = arith.constant 0 : index
    tpu.barrier barrier_id(%barrier3A)
    %add3A = arith.constant 0 : i32
    %add3A_38 = arith.addi %mul3A_2, %add3A : i32
    %run_scoped3A = arith.constant 0 : i32
    "tpu.region"() ({
      %run_scoped3A_131 = tpu.sem_alloc : memref<!tpu.dma_semaphore, #tpu.memory_space<semaphore_mem>>
      %dma_start3A = arith.constant 0 : i32
      %dma_start3A_132 = arith.constant 0 : i32
      %dma_start3A_133 = tpu.memref_slice %arg8[%run_scoped3A, %dma_start3A, %dma_start3A_132] : memref<3x2x128xi32, #tpu.memory_space<vmem>> -> memref<1x2x128xi32, #tpu.memory_space<vmem>>
      %dma_start3A_134 = tpu.memref_squeeze %dma_start3A_133 : memref<1x2x128xi32, #tpu.memory_space<vmem>> -> memref<2x128xi32, #tpu.memory_space<vmem>>
      %dma_start3A_135 = arith.constant 0 : i32
      %dma_start3A_136 = tpu.memref_slice %arg4[%add3A_38, %dma_start3A_135] : memref<2560x128xi32, #tpu.memory_space<hbm>> -> memref<2x128xi32, #tpu.memory_space<hbm>>
      %dma_start3A_137 = arith.constant 0 : i32
      %dma_start3A_138 = arith.constant 0 : i32
      %dma_start3A_139 = tpu.memref_slice %arg8[%run_scoped3A, %dma_start3A_137, %dma_start3A_138] : memref<3x2x128xi32, #tpu.memory_space<vmem>> -> memref<1x2x128xi32, #tpu.memory_space<vmem>>
      %dma_start3A_140 = tpu.memref_squeeze %dma_start3A_139 : memref<1x2x128xi32, #tpu.memory_space<vmem>> -> memref<2x128xi32, #tpu.memory_space<vmem>>
      %dma_start3A_141 = arith.constant 0 : i32
      %dma_start3A_142 = tpu.memref_slice %arg4[%add3A_38, %dma_start3A_141] : memref<2560x128xi32, #tpu.memory_space<hbm>> -> memref<2x128xi32, #tpu.memory_space<hbm>>
      tpu.enqueue_dma source(%dma_start3A_142 : memref<2x128xi32, #tpu.memory_space<hbm>>) target(%dma_start3A_140 : memref<2x128xi32, #tpu.memory_space<vmem>>) target_semaphore(%run_scoped3A_131 : memref<!tpu.dma_semaphore, #tpu.memory_space<semaphore_mem>>)
      %dma_wait3A = arith.constant 0 : i32
      %dma_wait3A_143 = arith.constant 0 : i32
      %dma_wait3A_144 = tpu.memref_slice %arg8[%run_scoped3A, %dma_wait3A, %dma_wait3A_143] : memref<3x2x128xi32, #tpu.memory_space<vmem>> -> memref<1x2x128xi32, #tpu.memory_space<vmem>>
      %dma_wait3A_145 = tpu.memref_squeeze %dma_wait3A_144 : memref<1x2x128xi32, #tpu.memory_space<vmem>> -> memref<2x128xi32, #tpu.memory_space<vmem>>
      %dma_wait3A_146 = arith.constant 0 : i32
      %dma_wait3A_147 = tpu.memref_slice %arg4[%add3A_38, %dma_wait3A_146] : memref<2560x128xi32, #tpu.memory_space<hbm>> -> memref<2x128xi32, #tpu.memory_space<hbm>>
      %dma_wait3A_148 = arith.constant 0 : i32
      %dma_wait3A_149 = arith.constant 0 : i32
      %dma_wait3A_150 = tpu.memref_slice %arg8[%run_scoped3A, %dma_wait3A_148, %dma_wait3A_149] : memref<3x2x128xi32, #tpu.memory_space<vmem>> -> memref<1x2x128xi32, #tpu.memory_space<vmem>>
      %dma_wait3A_151 = tpu.memref_squeeze %dma_wait3A_150 : memref<1x2x128xi32, #tpu.memory_space<vmem>> -> memref<2x128xi32, #tpu.memory_space<vmem>>
      %dma_wait3A_152 = arith.constant 0 : i32
      %dma_wait3A_153 = tpu.memref_slice %arg4[%add3A_38, %dma_wait3A_152] : memref<2560x128xi32, #tpu.memory_space<hbm>> -> memref<2x128xi32, #tpu.memory_space<hbm>>
      tpu.wait_dma2 semaphore(%run_scoped3A_131 : memref<!tpu.dma_semaphore, #tpu.memory_space<semaphore_mem>>) src(%dma_wait3A_153 : memref<2x128xi32, #tpu.memory_space<hbm>>) dst(%dma_wait3A_151 : memref<2x128xi32, #tpu.memory_space<vmem>>)
      tpu.yield
    }) : () -> ()
    %add3A_39 = arith.constant 0 : i32
    %add3A_40 = arith.addi %mul3A_2, %add3A_39 : i32
    %run_scoped3A_41 = arith.constant 0 : i32
    "tpu.region"() ({
      %run_scoped3A_131 = tpu.sem_alloc : memref<!tpu.dma_semaphore, #tpu.memory_space<semaphore_mem>>
      %dma_start3A = arith.constant 0 : i32
      %dma_start3A_132 = arith.constant 0 : i32
      %dma_start3A_133 = tpu.memref_slice %arg9[%run_scoped3A_41, %dma_start3A, %dma_start3A_132] : memref<3x2x128xi32, #tpu.memory_space<vmem>> -> memref<1x2x128xi32, #tpu.memory_space<vmem>>
      %dma_start3A_134 = tpu.memref_squeeze %dma_start3A_133 : memref<1x2x128xi32, #tpu.memory_space<vmem>> -> memref<2x128xi32, #tpu.memory_space<vmem>>
      %dma_start3A_135 = arith.constant 0 : i32
      %dma_start3A_136 = tpu.memref_slice %arg5[%add3A_40, %dma_start3A_135] : memref<2560x128xi32, #tpu.memory_space<hbm>> -> memref<2x128xi32, #tpu.memory_space<hbm>>
      %dma_start3A_137 = arith.constant 0 : i32
      %dma_start3A_138 = arith.constant 0 : i32
      %dma_start3A_139 = tpu.memref_slice %arg9[%run_scoped3A_41, %dma_start3A_137, %dma_start3A_138] : memref<3x2x128xi32, #tpu.memory_space<vmem>> -> memref<1x2x128xi32, #tpu.memory_space<vmem>>
      %dma_start3A_140 = tpu.memref_squeeze %dma_start3A_139 : memref<1x2x128xi32, #tpu.memory_space<vmem>> -> memref<2x128xi32, #tpu.memory_space<vmem>>
      %dma_start3A_141 = arith.constant 0 : i32
      %dma_start3A_142 = tpu.memref_slice %arg5[%add3A_40, %dma_start3A_141] : memref<2560x128xi32, #tpu.memory_space<hbm>> -> memref<2x128xi32, #tpu.memory_space<hbm>>
      tpu.enqueue_dma source(%dma_start3A_142 : memref<2x128xi32, #tpu.memory_space<hbm>>) target(%dma_start3A_140 : memref<2x128xi32, #tpu.memory_space<vmem>>) target_semaphore(%run_scoped3A_131 : memref<!tpu.dma_semaphore, #tpu.memory_space<semaphore_mem>>)
      %dma_wait3A = arith.constant 0 : i32
      %dma_wait3A_143 = arith.constant 0 : i32
      %dma_wait3A_144 = tpu.memref_slice %arg9[%run_scoped3A_41, %dma_wait3A, %dma_wait3A_143] : memref<3x2x128xi32, #tpu.memory_space<vmem>> -> memref<1x2x128xi32, #tpu.memory_space<vmem>>
      %dma_wait3A_145 = tpu.memref_squeeze %dma_wait3A_144 : memref<1x2x128xi32, #tpu.memory_space<vmem>> -> memref<2x128xi32, #tpu.memory_space<vmem>>
      %dma_wait3A_146 = arith.constant 0 : i32
      %dma_wait3A_147 = tpu.memref_slice %arg5[%add3A_40, %dma_wait3A_146] : memref<2560x128xi32, #tpu.memory_space<hbm>> -> memref<2x128xi32, #tpu.memory_space<hbm>>
      %dma_wait3A_148 = arith.constant 0 : i32
      %dma_wait3A_149 = arith.constant 0 : i32
      %dma_wait3A_150 = tpu.memref_slice %arg9[%run_scoped3A_41, %dma_wait3A_148, %dma_wait3A_149] : memref<3x2x128xi32, #tpu.memory_space<vmem>> -> memref<1x2x128xi32, #tpu.memory_space<vmem>>
      %dma_wait3A_151 = tpu.memref_squeeze %dma_wait3A_150 : memref<1x2x128xi32, #tpu.memory_space<vmem>> -> memref<2x128xi32, #tpu.memory_space<vmem>>
      %dma_wait3A_152 = arith.constant 0 : i32
      %dma_wait3A_153 = tpu.memref_slice %arg5[%add3A_40, %dma_wait3A_152] : memref<2560x128xi32, #tpu.memory_space<hbm>> -> memref<2x128xi32, #tpu.memory_space<hbm>>
      tpu.wait_dma2 semaphore(%run_scoped3A_131 : memref<!tpu.dma_semaphore, #tpu.memory_space<semaphore_mem>>) src(%dma_wait3A_153 : memref<2x128xi32, #tpu.memory_space<hbm>>) dst(%dma_wait3A_151 : memref<2x128xi32, #tpu.memory_space<vmem>>)
      tpu.yield
    }) : () -> ()
    %add3A_42 = arith.constant 2 : i32
    %add3A_43 = arith.addi %mul3A_2, %add3A_42 : i32
    %run_scoped3A_44 = arith.constant 1 : i32
    "tpu.region"() ({
      %run_scoped3A_131 = tpu.sem_alloc : memref<!tpu.dma_semaphore, #tpu.memory_space<semaphore_mem>>
      %dma_start3A = arith.constant 0 : i32
      %dma_start3A_132 = arith.constant 0 : i32
      %dma_start3A_133 = tpu.memref_slice %arg8[%run_scoped3A_44, %dma_start3A, %dma_start3A_132] : memref<3x2x128xi32, #tpu.memory_space<vmem>> -> memref<1x2x128xi32, #tpu.memory_space<vmem>>
      %dma_start3A_134 = tpu.memref_squeeze %dma_start3A_133 : memref<1x2x128xi32, #tpu.memory_space<vmem>> -> memref<2x128xi32, #tpu.memory_space<vmem>>
      %dma_start3A_135 = arith.constant 0 : i32
      %dma_start3A_136 = tpu.memref_slice %arg4[%add3A_43, %dma_start3A_135] : memref<2560x128xi32, #tpu.memory_space<hbm>> -> memref<2x128xi32, #tpu.memory_space<hbm>>
      %dma_start3A_137 = arith.constant 0 : i32
      %dma_start3A_138 = arith.constant 0 : i32
      %dma_start3A_139 = tpu.memref_slice %arg8[%run_scoped3A_44, %dma_start3A_137, %dma_start3A_138] : memref<3x2x128xi32, #tpu.memory_space<vmem>> -> memref<1x2x128xi32, #tpu.memory_space<vmem>>
      %dma_start3A_140 = tpu.memref_squeeze %dma_start3A_139 : memref<1x2x128xi32, #tpu.memory_space<vmem>> -> memref<2x128xi32, #tpu.memory_space<vmem>>
      %dma_start3A_141 = arith.constant 0 : i32
      %dma_start3A_142 = tpu.memref_slice %arg4[%add3A_43, %dma_start3A_141] : memref<2560x128xi32, #tpu.memory_space<hbm>> -> memref<2x128xi32, #tpu.memory_space<hbm>>
      tpu.enqueue_dma source(%dma_start3A_142 : memref<2x128xi32, #tpu.memory_space<hbm>>) target(%dma_start3A_140 : memref<2x128xi32, #tpu.memory_space<vmem>>) target_semaphore(%run_scoped3A_131 : memref<!tpu.dma_semaphore, #tpu.memory_space<semaphore_mem>>)
      %dma_wait3A = arith.constant 0 : i32
      %dma_wait3A_143 = arith.constant 0 : i32
      %dma_wait3A_144 = tpu.memref_slice %arg8[%run_scoped3A_44, %dma_wait3A, %dma_wait3A_143] : memref<3x2x128xi32, #tpu.memory_space<vmem>> -> memref<1x2x128xi32, #tpu.memory_space<vmem>>
      %dma_wait3A_145 = tpu.memref_squeeze %dma_wait3A_144 : memref<1x2x128xi32, #tpu.memory_space<vmem>> -> memref<2x128xi32, #tpu.memory_space<vmem>>
      %dma_wait3A_146 = arith.constant 0 : i32
      %dma_wait3A_147 = tpu.memref_slice %arg4[%add3A_43, %dma_wait3A_146] : memref<2560x128xi32, #tpu.memory_space<hbm>> -> memref<2x128xi32, #tpu.memory_space<hbm>>
      %dma_wait3A_148 = arith.constant 0 : i32
      %dma_wait3A_149 = arith.constant 0 : i32
      %dma_wait3A_150 = tpu.memref_slice %arg8[%run_scoped3A_44, %dma_wait3A_148, %dma_wait3A_149] : memref<3x2x128xi32, #tpu.memory_space<vmem>> -> memref<1x2x128xi32, #tpu.memory_space<vmem>>
      %dma_wait3A_151 = tpu.memref_squeeze %dma_wait3A_150 : memref<1x2x128xi32, #tpu.memory_space<vmem>> -> memref<2x128xi32, #tpu.memory_space<vmem>>
      %dma_wait3A_152 = arith.constant 0 : i32
      %dma_wait3A_153 = tpu.memref_slice %arg4[%add3A_43, %dma_wait3A_152] : memref<2560x128xi32, #tpu.memory_space<hbm>> -> memref<2x128xi32, #tpu.memory_space<hbm>>
      tpu.wait_dma2 semaphore(%run_scoped3A_131 : memref<!tpu.dma_semaphore, #tpu.memory_space<semaphore_mem>>) src(%dma_wait3A_153 : memref<2x128xi32, #tpu.memory_space<hbm>>) dst(%dma_wait3A_151 : memref<2x128xi32, #tpu.memory_space<vmem>>)
      tpu.yield
    }) : () -> ()
    %add3A_45 = arith.constant 2 : i32
    %add3A_46 = arith.addi %mul3A_2, %add3A_45 : i32
    %run_scoped3A_47 = arith.constant 1 : i32
    "tpu.region"() ({
      %run_scoped3A_131 = tpu.sem_alloc : memref<!tpu.dma_semaphore, #tpu.memory_space<semaphore_mem>>
      %dma_start3A = arith.constant 0 : i32
      %dma_start3A_132 = arith.constant 0 : i32
      %dma_start3A_133 = tpu.memref_slice %arg9[%run_scoped3A_47, %dma_start3A, %dma_start3A_132] : memref<3x2x128xi32, #tpu.memory_space<vmem>> -> memref<1x2x128xi32, #tpu.memory_space<vmem>>
      %dma_start3A_134 = tpu.memref_squeeze %dma_start3A_133 : memref<1x2x128xi32, #tpu.memory_space<vmem>> -> memref<2x128xi32, #tpu.memory_space<vmem>>
      %dma_start3A_135 = arith.constant 0 : i32
      %dma_start3A_136 = tpu.memref_slice %arg5[%add3A_46, %dma_start3A_135] : memref<2560x128xi32, #tpu.memory_space<hbm>> -> memref<2x128xi32, #tpu.memory_space<hbm>>
      %dma_start3A_137 = arith.constant 0 : i32
      %dma_start3A_138 = arith.constant 0 : i32
      %dma_start3A_139 = tpu.memref_slice %arg9[%run_scoped3A_47, %dma_start3A_137, %dma_start3A_138] : memref<3x2x128xi32, #tpu.memory_space<vmem>> -> memref<1x2x128xi32, #tpu.memory_space<vmem>>
      %dma_start3A_140 = tpu.memref_squeeze %dma_start3A_139 : memref<1x2x128xi32, #tpu.memory_space<vmem>> -> memref<2x128xi32, #tpu.memory_space<vmem>>
      %dma_start3A_141 = arith.constant 0 : i32
      %dma_start3A_142 = tpu.memref_slice %arg5[%add3A_46, %dma_start3A_141] : memref<2560x128xi32, #tpu.memory_space<hbm>> -> memref<2x128xi32, #tpu.memory_space<hbm>>
      tpu.enqueue_dma source(%dma_start3A_142 : memref<2x128xi32, #tpu.memory_space<hbm>>) target(%dma_start3A_140 : memref<2x128xi32, #tpu.memory_space<vmem>>) target_semaphore(%run_scoped3A_131 : memref<!tpu.dma_semaphore, #tpu.memory_space<semaphore_mem>>)
      %dma_wait3A = arith.constant 0 : i32
      %dma_wait3A_143 = arith.constant 0 : i32
      %dma_wait3A_144 = tpu.memref_slice %arg9[%run_scoped3A_47, %dma_wait3A, %dma_wait3A_143] : memref<3x2x128xi32, #tpu.memory_space<vmem>> -> memref<1x2x128xi32, #tpu.memory_space<vmem>>
      %dma_wait3A_145 = tpu.memref_squeeze %dma_wait3A_144 : memref<1x2x128xi32, #tpu.memory_space<vmem>> -> memref<2x128xi32, #tpu.memory_space<vmem>>
      %dma_wait3A_146 = arith.constant 0 : i32
      %dma_wait3A_147 = tpu.memref_slice %arg5[%add3A_46, %dma_wait3A_146] : memref<2560x128xi32, #tpu.memory_space<hbm>> -> memref<2x128xi32, #tpu.memory_space<hbm>>
      %dma_wait3A_148 = arith.constant 0 : i32
      %dma_wait3A_149 = arith.constant 0 : i32
      %dma_wait3A_150 = tpu.memref_slice %arg9[%run_scoped3A_47, %dma_wait3A_148, %dma_wait3A_149] : memref<3x2x128xi32, #tpu.memory_space<vmem>> -> memref<1x2x128xi32, #tpu.memory_space<vmem>>
      %dma_wait3A_151 = tpu.memref_squeeze %dma_wait3A_150 : memref<1x2x128xi32, #tpu.memory_space<vmem>> -> memref<2x128xi32, #tpu.memory_space<vmem>>
      %dma_wait3A_152 = arith.constant 0 : i32
      %dma_wait3A_153 = tpu.memref_slice %arg5[%add3A_46, %dma_wait3A_152] : memref<2560x128xi32, #tpu.memory_space<hbm>> -> memref<2x128xi32, #tpu.memory_space<hbm>>
      tpu.wait_dma2 semaphore(%run_scoped3A_131 : memref<!tpu.dma_semaphore, #tpu.memory_space<semaphore_mem>>) src(%dma_wait3A_153 : memref<2x128xi32, #tpu.memory_space<hbm>>) dst(%dma_wait3A_151 : memref<2x128xi32, #tpu.memory_space<vmem>>)
      tpu.yield
    }) : () -> ()
    %rem3A = arith.constant 0 : i32
    %rem3A_48 = arith.constant 3 : i32
    %rem3A_49 = arith.remsi %rem3A, %rem3A_48 : i32
    %scan3A_50 = arith.constant 0 : i32
    %scan3A_51 = arith.constant 2 : i32
    %scan3A_52 = arith.addi %scan3A_50, %scan3A_51 : i32
    %scan3A_53 = arith.constant 1 : i32
    scf.for %scan3A_131 = %scan3A_50 to %scan3A_52 step %scan3A_53  : i32 {
      %mul3A_132 = arith.constant 1 : i32
      %mul3A_133 = arith.muli %scan3A_131, %mul3A_132 : i32
      %add3A_134 = arith.constant 0 : i32
      %add3A_135 = arith.addi %add3A_134, %mul3A_133 : i32
      %mul3A_136 = arith.constant 128 : i32
      %mul3A_137 = arith.muli %add3A_135, %mul3A_136 : i32
      %dma_start3A = arith.constant 0 : i32
      %dma_start3A_138 = arith.constant 0 : i32
      %dma_start3A_139 = tpu.memref_slice %arg12[%dma_start3A, %mul3A_137, %dma_start3A_138] : memref<2x256x64xf32, #tpu.memory_space<vmem>> -> memref<1x128x64xf32, #tpu.memory_space<vmem>>
      %dma_start3A_140 = tpu.memref_squeeze %dma_start3A_139 : memref<1x128x64xf32, #tpu.memory_space<vmem>> -> memref<128x64xf32, #tpu.memory_space<vmem>>
      %dma_start3A_141 = arith.constant 0 : i32
      %dma_start3A_142 = tpu.memref_slice %arg8[%rem3A_49, %add3A_135, %dma_start3A_141] : memref<3x2x128xi32, #tpu.memory_space<vmem>> -> memref<1x1x128xi32, #tpu.memory_space<vmem>>
      %dma_start3A_143 = tpu.memref_squeeze %dma_start3A_142 : memref<1x1x128xi32, #tpu.memory_space<vmem>> -> memref<128xi32, #tpu.memory_space<vmem>>
      %dma_start3A_144 = arith.constant 0 : i32
      %dma_start3A_145 = arith.constant 0 : i32
      %dma_start3A_146 = tpu.memref_slice %arg13[%dma_start3A_144, %dma_start3A_145] : memref<10240x64xf32, #tpu.memory_space<vmem_shared>> -> memref<10240x64xf32, #tpu.memory_space<vmem_shared>>
      tpu.enqueue_indirect_dma source(%dma_start3A_146 : memref<10240x64xf32, #tpu.memory_space<vmem_shared>>) target(%dma_start3A_140 : memref<128x64xf32, #tpu.memory_space<vmem>>) offsets(%dma_start3A_143 : memref<128xi32, #tpu.memory_space<vmem>>) semaphore(%arg16 : memref<!tpu.dma_semaphore, #tpu.memory_space<semaphore_mem>>)
    }
    %scan3A_54 = arith.constant 2 : i32
    %scan3A_55 = arith.constant 0 : i32
    %scan3A_56 = arith.constant 80 : i32
    %scan3A_57 = arith.addi %scan3A_55, %scan3A_56 : i32
    %scan3A_58 = arith.constant 1 : i32
    scf.for %scan3A_131 = %scan3A_55 to %scan3A_57 step %scan3A_58  : i32 {
      %mul3A_132 = arith.constant 1 : i32
      %mul3A_133 = arith.muli %scan3A_131, %mul3A_132 : i32
      %add3A_134 = arith.constant 0 : i32
      %add3A_135 = arith.addi %add3A_134, %mul3A_133 : i32
      %rem3A_136 = arith.constant 2 : i32
      %rem3A_137 = arith.remsi %add3A_135, %rem3A_136 : i32
      %scan3A_138 = arith.constant 0 : i32
      %scan3A_139 = arith.constant 2 : i32
      %scan3A_140 = arith.addi %scan3A_138, %scan3A_139 : i32
      %scan3A_141 = arith.constant 1 : i32
      scf.for %scan3A_175 = %scan3A_138 to %scan3A_140 step %scan3A_141  : i32 {
        %mul3A_176 = arith.constant 1 : i32
        %mul3A_177 = arith.muli %scan3A_175, %mul3A_176 : i32
        %add3A_178 = arith.constant 0 : i32
        %add3A_179 = arith.addi %add3A_178, %mul3A_177 : i32
        %dma_wait3A = arith.constant 0 : i32
        %dma_wait3A_180 = arith.constant 0 : i32
        %dma_wait3A_181 = arith.constant 0 : i32
        %dma_wait3A_182 = arith.constant 0 : i32
        %dma_wait3A_183 = arith.constant 0 : i32
        %dma_wait3A_184 = tpu.memref_slice %arg12[%dma_wait3A_181, %dma_wait3A_182, %dma_wait3A_183] : memref<2x256x64xf32, #tpu.memory_space<vmem>> -> memref<1x128x64xf32, #tpu.memory_space<vmem>>
        %dma_wait3A_185 = tpu.memref_squeeze %dma_wait3A_184 : memref<1x128x64xf32, #tpu.memory_space<vmem>> -> memref<128x64xf32, #tpu.memory_space<vmem>>
        %dma_wait3A_186 = arith.constant 0 : i32
        %dma_wait3A_187 = tpu.memref_slice %arg8[%dma_wait3A, %dma_wait3A_180, %dma_wait3A_186] : memref<3x2x128xi32, #tpu.memory_space<vmem>> -> memref<1x1x128xi32, #tpu.memory_space<vmem>>
        %dma_wait3A_188 = tpu.memref_squeeze %dma_wait3A_187 : memref<1x1x128xi32, #tpu.memory_space<vmem>> -> memref<128xi32, #tpu.memory_space<vmem>>
        %dma_wait3A_189 = arith.constant 0 : i32
        %dma_wait3A_190 = arith.constant 0 : i32
        %dma_wait3A_191 = tpu.memref_slice %arg13[%dma_wait3A_189, %dma_wait3A_190] : memref<10240x64xf32, #tpu.memory_space<vmem_shared>> -> memref<10240x64xf32, #tpu.memory_space<vmem_shared>>
        tpu.wait_indirect_dma semaphore(%arg16 : memref<!tpu.dma_semaphore, #tpu.memory_space<semaphore_mem>>) src(%dma_wait3A_191 : memref<10240x64xf32, #tpu.memory_space<vmem_shared>>) dst(%dma_wait3A_185 : memref<128x64xf32, #tpu.memory_space<vmem>>)
      }
      %scan3A_142 = arith.constant 2 : i32
      %gt3A = arith.constant 0 : i32
      %gt3A_143 = arith.cmpi sgt, %add3A_135, %gt3A : i32
      %convert_element_type3A_144 = arith.extui %gt3A_143 : i1 to i32
      %cond3A_145 = arith.constant 0 : i32
      %cond3A_146 = arith.cmpi ne, %convert_element_type3A_144, %cond3A_145 : i32
      scf.if %cond3A_146 {
        %scan3A_175 = arith.constant 0 : i32
        %scan3A_176 = arith.constant 2 : i32
        %scan3A_177 = arith.addi %scan3A_175, %scan3A_176 : i32
        %scan3A_178 = arith.constant 1 : i32
        scf.for %scan3A_180 = %scan3A_175 to %scan3A_177 step %scan3A_178  : i32 {
          %mul3A_181 = arith.constant 1 : i32
          %mul3A_182 = arith.muli %scan3A_180, %mul3A_181 : i32
          %add3A_183 = arith.constant 0 : i32
          %add3A_184 = arith.addi %add3A_183, %mul3A_182 : i32
          %dma_wait3A = arith.constant 0 : i32
          %dma_wait3A_185 = arith.constant 0 : i32
          %dma_wait3A_186 = arith.constant 0 : i32
          %dma_wait3A_187 = arith.constant 0 : i32
          %dma_wait3A_188 = arith.constant 0 : i32
          %dma_wait3A_189 = tpu.memref_slice %arg12[%dma_wait3A, %dma_wait3A_187, %dma_wait3A_188] : memref<2x256x64xf32, #tpu.memory_space<vmem>> -> memref<1x128x64xf32, #tpu.memory_space<vmem>>
          %dma_wait3A_190 = tpu.memref_squeeze %dma_wait3A_189 : memref<1x128x64xf32, #tpu.memory_space<vmem>> -> memref<128x64xf32, #tpu.memory_space<vmem>>
          %dma_wait3A_191 = arith.constant 0 : i32
          %dma_wait3A_192 = tpu.memref_slice %arg9[%dma_wait3A_185, %dma_wait3A_186, %dma_wait3A_191] : memref<3x2x128xi32, #tpu.memory_space<vmem>> -> memref<1x1x128xi32, #tpu.memory_space<vmem>>
          %dma_wait3A_193 = tpu.memref_squeeze %dma_wait3A_192 : memref<1x1x128xi32, #tpu.memory_space<vmem>> -> memref<128xi32, #tpu.memory_space<vmem>>
          %dma_wait3A_194 = arith.constant 0 : i32
          %dma_wait3A_195 = arith.constant 0 : i32
          %dma_wait3A_196 = tpu.memref_slice %arg14[%dma_wait3A_194, %dma_wait3A_195] : memref<10240x64xf32, #tpu.memory_space<vmem_shared>> -> memref<10240x64xf32, #tpu.memory_space<vmem_shared>>
          tpu.wait_indirect_dma semaphore(%arg17 : memref<!tpu.dma_semaphore, #tpu.memory_space<semaphore_mem>>) src(%dma_wait3A_190 : memref<128x64xf32, #tpu.memory_space<vmem>>) dst(%dma_wait3A_196 : memref<10240x64xf32, #tpu.memory_space<vmem_shared>>)
        }
        %scan3A_179 = arith.constant 2 : i32
      } else {
      }
      %ge3A = arith.constant 1 : i32
      %ge3A_147 = arith.cmpi sge, %add3A_135, %ge3A : i32
      %add3A_148 = arith.constant 1 : i32
      %add3A_149 = arith.addi %add3A_135, %add3A_148 : i32
      %lt3A = arith.constant 80 : i32
      %lt3A_150 = arith.cmpi slt, %add3A_149, %lt3A : i32
      %and3A = arith.andi %ge3A_147, %lt3A_150 : i1
      %convert_element_type3A_151 = arith.extui %and3A : i1 to i32
      %cond3A_152 = arith.constant 0 : i32
      %cond3A_153 = arith.cmpi ne, %convert_element_type3A_151, %cond3A_152 : i32
      scf.if %cond3A_153 {
        %dma_wait3A = arith.constant 0 : i32
        %dma_wait3A_175 = arith.constant 0 : i32
        %dma_wait3A_176 = arith.constant 0 : i32
        %dma_wait3A_177 = tpu.memref_slice %arg8[%dma_wait3A, %dma_wait3A_175, %dma_wait3A_176] : memref<3x2x128xi32, #tpu.memory_space<vmem>> -> memref<1x2x128xi32, #tpu.memory_space<vmem>>
        %dma_wait3A_178 = tpu.memref_squeeze %dma_wait3A_177 : memref<1x2x128xi32, #tpu.memory_space<vmem>> -> memref<2x128xi32, #tpu.memory_space<vmem>>
        %dma_wait3A_179 = arith.constant 0 : i32
        %dma_wait3A_180 = tpu.memref_slice %arg4[%mul3A_2, %dma_wait3A_179] : memref<2560x128xi32, #tpu.memory_space<hbm>> -> memref<2x128xi32, #tpu.memory_space<hbm>>
        %dma_wait3A_181 = arith.constant 0 : i32
        %dma_wait3A_182 = arith.constant 0 : i32
        %dma_wait3A_183 = tpu.memref_slice %arg8[%dma_wait3A, %dma_wait3A_181, %dma_wait3A_182] : memref<3x2x128xi32, #tpu.memory_space<vmem>> -> memref<1x2x128xi32, #tpu.memory_space<vmem>>
        %dma_wait3A_184 = tpu.memref_squeeze %dma_wait3A_183 : memref<1x2x128xi32, #tpu.memory_space<vmem>> -> memref<2x128xi32, #tpu.memory_space<vmem>>
        %dma_wait3A_185 = arith.constant 0 : i32
        %dma_wait3A_186 = tpu.memref_slice %arg4[%mul3A_2, %dma_wait3A_185] : memref<2560x128xi32, #tpu.memory_space<hbm>> -> memref<2x128xi32, #tpu.memory_space<hbm>>
        tpu.wait_dma2 semaphore(%arg19 : memref<!tpu.dma_semaphore, #tpu.memory_space<semaphore_mem>>) src(%dma_wait3A_186 : memref<2x128xi32, #tpu.memory_space<hbm>>) dst(%dma_wait3A_184 : memref<2x128xi32, #tpu.memory_space<vmem>>)
        %dma_wait3A_187 = arith.constant 0 : i32
        %dma_wait3A_188 = arith.constant 0 : i32
        %dma_wait3A_189 = arith.constant 0 : i32
        %dma_wait3A_190 = tpu.memref_slice %arg9[%dma_wait3A_187, %dma_wait3A_188, %dma_wait3A_189] : memref<3x2x128xi32, #tpu.memory_space<vmem>> -> memref<1x2x128xi32, #tpu.memory_space<vmem>>
        %dma_wait3A_191 = tpu.memref_squeeze %dma_wait3A_190 : memref<1x2x128xi32, #tpu.memory_space<vmem>> -> memref<2x128xi32, #tpu.memory_space<vmem>>
        %dma_wait3A_192 = arith.constant 0 : i32
        %dma_wait3A_193 = tpu.memref_slice %arg5[%mul3A_2, %dma_wait3A_192] : memref<2560x128xi32, #tpu.memory_space<hbm>> -> memref<2x128xi32, #tpu.memory_space<hbm>>
        %dma_wait3A_194 = arith.constant 0 : i32
        %dma_wait3A_195 = arith.constant 0 : i32
        %dma_wait3A_196 = tpu.memref_slice %arg9[%dma_wait3A_187, %dma_wait3A_194, %dma_wait3A_195] : memref<3x2x128xi32, #tpu.memory_space<vmem>> -> memref<1x2x128xi32, #tpu.memory_space<vmem>>
        %dma_wait3A_197 = tpu.memref_squeeze %dma_wait3A_196 : memref<1x2x128xi32, #tpu.memory_space<vmem>> -> memref<2x128xi32, #tpu.memory_space<vmem>>
        %dma_wait3A_198 = arith.constant 0 : i32
        %dma_wait3A_199 = tpu.memref_slice %arg5[%mul3A_2, %dma_wait3A_198] : memref<2560x128xi32, #tpu.memory_space<hbm>> -> memref<2x128xi32, #tpu.memory_space<hbm>>
        tpu.wait_dma2 semaphore(%arg19 : memref<!tpu.dma_semaphore, #tpu.memory_space<semaphore_mem>>) src(%dma_wait3A_199 : memref<2x128xi32, #tpu.memory_space<hbm>>) dst(%dma_wait3A_197 : memref<2x128xi32, #tpu.memory_space<vmem>>)
      } else {
      }
      %add3A_154 = arith.constant 2 : i32
      %add3A_155 = arith.addi %add3A_135, %add3A_154 : i32
      %lt3A_156 = arith.constant 80 : i32
      %lt3A_157 = arith.cmpi slt, %add3A_155, %lt3A_156 : i32
      %convert_element_type3A_158 = arith.extui %lt3A_157 : i1 to i32
      %cond3A_159 = arith.constant 0 : i32
      %cond3A_160 = arith.cmpi ne, %convert_element_type3A_158, %cond3A_159 : i32
      scf.if %cond3A_160 {
        %add3A_175 = arith.constant 2 : i32
        %add3A_176 = arith.addi %add3A_135, %add3A_175 : i32
        %rem3A_177 = arith.constant 3 : i32
        %rem3A_178 = arith.remsi %add3A_176, %rem3A_177 : i32
        %add3A_179 = arith.constant 2 : i32
        %add3A_180 = arith.addi %add3A_135, %add3A_179 : i32
        %mul3A_181 = arith.constant 2 : i32
        %mul3A_182 = arith.muli %add3A_180, %mul3A_181 : i32
        %add3A_183 = arith.addi %mul3A_2, %mul3A_182 : i32
        %dma_start3A = arith.constant 0 : i32
        %dma_start3A_184 = arith.constant 0 : i32
        %dma_start3A_185 = tpu.memref_slice %arg8[%rem3A_178, %dma_start3A, %dma_start3A_184] : memref<3x2x128xi32, #tpu.memory_space<vmem>> -> memref<1x2x128xi32, #tpu.memory_space<vmem>>
        %dma_start3A_186 = tpu.memref_squeeze %dma_start3A_185 : memref<1x2x128xi32, #tpu.memory_space<vmem>> -> memref<2x128xi32, #tpu.memory_space<vmem>>
        %dma_start3A_187 = arith.constant 0 : i32
        %dma_start3A_188 = tpu.memref_slice %arg4[%add3A_183, %dma_start3A_187] : memref<2560x128xi32, #tpu.memory_space<hbm>> -> memref<2x128xi32, #tpu.memory_space<hbm>>
        %dma_start3A_189 = arith.constant 0 : i32
        %dma_start3A_190 = arith.constant 0 : i32
        %dma_start3A_191 = tpu.memref_slice %arg8[%rem3A_178, %dma_start3A_189, %dma_start3A_190] : memref<3x2x128xi32, #tpu.memory_space<vmem>> -> memref<1x2x128xi32, #tpu.memory_space<vmem>>
        %dma_start3A_192 = tpu.memref_squeeze %dma_start3A_191 : memref<1x2x128xi32, #tpu.memory_space<vmem>> -> memref<2x128xi32, #tpu.memory_space<vmem>>
        %dma_start3A_193 = arith.constant 0 : i32
        %dma_start3A_194 = tpu.memref_slice %arg4[%add3A_183, %dma_start3A_193] : memref<2560x128xi32, #tpu.memory_space<hbm>> -> memref<2x128xi32, #tpu.memory_space<hbm>>
        tpu.enqueue_dma source(%dma_start3A_194 : memref<2x128xi32, #tpu.memory_space<hbm>>) target(%dma_start3A_192 : memref<2x128xi32, #tpu.memory_space<vmem>>) target_semaphore(%arg19 : memref<!tpu.dma_semaphore, #tpu.memory_space<semaphore_mem>>)
        %add3A_195 = arith.constant 2 : i32
        %add3A_196 = arith.addi %add3A_135, %add3A_195 : i32
        %mul3A_197 = arith.constant 2 : i32
        %mul3A_198 = arith.muli %add3A_196, %mul3A_197 : i32
        %add3A_199 = arith.addi %mul3A_2, %mul3A_198 : i32
        %dma_start3A_200 = arith.constant 0 : i32
        %dma_start3A_201 = arith.constant 0 : i32
        %dma_start3A_202 = tpu.memref_slice %arg9[%rem3A_178, %dma_start3A_200, %dma_start3A_201] : memref<3x2x128xi32, #tpu.memory_space<vmem>> -> memref<1x2x128xi32, #tpu.memory_space<vmem>>
        %dma_start3A_203 = tpu.memref_squeeze %dma_start3A_202 : memref<1x2x128xi32, #tpu.memory_space<vmem>> -> memref<2x128xi32, #tpu.memory_space<vmem>>
        %dma_start3A_204 = arith.constant 0 : i32
        %dma_start3A_205 = tpu.memref_slice %arg5[%add3A_199, %dma_start3A_204] : memref<2560x128xi32, #tpu.memory_space<hbm>> -> memref<2x128xi32, #tpu.memory_space<hbm>>
        %dma_start3A_206 = arith.constant 0 : i32
        %dma_start3A_207 = arith.constant 0 : i32
        %dma_start3A_208 = tpu.memref_slice %arg9[%rem3A_178, %dma_start3A_206, %dma_start3A_207] : memref<3x2x128xi32, #tpu.memory_space<vmem>> -> memref<1x2x128xi32, #tpu.memory_space<vmem>>
        %dma_start3A_209 = tpu.memref_squeeze %dma_start3A_208 : memref<1x2x128xi32, #tpu.memory_space<vmem>> -> memref<2x128xi32, #tpu.memory_space<vmem>>
        %dma_start3A_210 = arith.constant 0 : i32
        %dma_start3A_211 = tpu.memref_slice %arg5[%add3A_199, %dma_start3A_210] : memref<2560x128xi32, #tpu.memory_space<hbm>> -> memref<2x128xi32, #tpu.memory_space<hbm>>
        tpu.enqueue_dma source(%dma_start3A_211 : memref<2x128xi32, #tpu.memory_space<hbm>>) target(%dma_start3A_209 : memref<2x128xi32, #tpu.memory_space<vmem>>) target_semaphore(%arg19 : memref<!tpu.dma_semaphore, #tpu.memory_space<semaphore_mem>>)
      } else {
      }
      %add3A_161 = arith.constant 1 : i32
      %add3A_162 = arith.addi %add3A_135, %add3A_161 : i32
      %lt3A_163 = arith.constant 80 : i32
      %lt3A_164 = arith.cmpi slt, %add3A_162, %lt3A_163 : i32
      %convert_element_type3A_165 = arith.extui %lt3A_164 : i1 to i32
      %cond3A_166 = arith.constant 0 : i32
      %cond3A_167 = arith.cmpi ne, %convert_element_type3A_165, %cond3A_166 : i32
      scf.if %cond3A_167 {
        %add3A_175 = arith.constant 1 : i32
        %add3A_176 = arith.addi %add3A_135, %add3A_175 : i32
        %sub3A = arith.constant 1 : i32
        %sub3A_177 = arith.subi %sub3A, %rem3A_137 : i32
        %rem3A_178 = arith.constant 3 : i32
        %rem3A_179 = arith.remsi %add3A_176, %rem3A_178 : i32
        %scan3A_180 = arith.constant 0 : i32
        %scan3A_181 = arith.constant 2 : i32
        %scan3A_182 = arith.addi %scan3A_180, %scan3A_181 : i32
        %scan3A_183 = arith.constant 1 : i32
        scf.for %scan3A_185 = %scan3A_180 to %scan3A_182 step %scan3A_183  : i32 {
          %mul3A_186 = arith.constant 1 : i32
          %mul3A_187 = arith.muli %scan3A_185, %mul3A_186 : i32
          %add3A_188 = arith.constant 0 : i32
          %add3A_189 = arith.addi %add3A_188, %mul3A_187 : i32
          %mul3A_190 = arith.constant 128 : i32
          %mul3A_191 = arith.muli %add3A_189, %mul3A_190 : i32
          %dma_start3A = arith.constant 0 : i32
          %dma_start3A_192 = tpu.memref_slice %arg12[%sub3A_177, %mul3A_191, %dma_start3A] : memref<2x256x64xf32, #tpu.memory_space<vmem>> -> memref<1x128x64xf32, #tpu.memory_space<vmem>>
          %dma_start3A_193 = tpu.memref_squeeze %dma_start3A_192 : memref<1x128x64xf32, #tpu.memory_space<vmem>> -> memref<128x64xf32, #tpu.memory_space<vmem>>
          %dma_start3A_194 = arith.constant 0 : i32
          %dma_start3A_195 = tpu.memref_slice %arg8[%rem3A_179, %add3A_189, %dma_start3A_194] : memref<3x2x128xi32, #tpu.memory_space<vmem>> -> memref<1x1x128xi32, #tpu.memory_space<vmem>>
          %dma_start3A_196 = tpu.memref_squeeze %dma_start3A_195 : memref<1x1x128xi32, #tpu.memory_space<vmem>> -> memref<128xi32, #tpu.memory_space<vmem>>
          %dma_start3A_197 = arith.constant 0 : i32
          %dma_start3A_198 = arith.constant 0 : i32
          %dma_start3A_199 = tpu.memref_slice %arg13[%dma_start3A_197, %dma_start3A_198] : memref<10240x64xf32, #tpu.memory_space<vmem_shared>> -> memref<10240x64xf32, #tpu.memory_space<vmem_shared>>
          tpu.enqueue_indirect_dma source(%dma_start3A_199 : memref<10240x64xf32, #tpu.memory_space<vmem_shared>>) target(%dma_start3A_193 : memref<128x64xf32, #tpu.memory_space<vmem>>) offsets(%dma_start3A_196 : memref<128xi32, #tpu.memory_space<vmem>>) semaphore(%arg16 : memref<!tpu.dma_semaphore, #tpu.memory_space<semaphore_mem>>)
        }
        %scan3A_184 = arith.constant 2 : i32
      } else {
      }
      %rem3A_168 = arith.constant 3 : i32
      %rem3A_169 = arith.remsi %add3A_135, %rem3A_168 : i32
      %scan3A_170 = arith.constant 0 : i32
      %scan3A_171 = arith.constant 2 : i32
      %scan3A_172 = arith.addi %scan3A_170, %scan3A_171 : i32
      %scan3A_173 = arith.constant 1 : i32
      scf.for %scan3A_175 = %scan3A_170 to %scan3A_172 step %scan3A_173  : i32 {
        %mul3A_176 = arith.constant 1 : i32
        %mul3A_177 = arith.muli %scan3A_175, %mul3A_176 : i32
        %add3A_178 = arith.constant 0 : i32
        %add3A_179 = arith.addi %add3A_178, %mul3A_177 : i32
        %mul3A_180 = arith.constant 128 : i32
        %mul3A_181 = arith.muli %add3A_179, %mul3A_180 : i32
        %dma_start3A = arith.constant 0 : i32
        %dma_start3A_182 = tpu.memref_slice %arg12[%rem3A_137, %mul3A_181, %dma_start3A] : memref<2x256x64xf32, #tpu.memory_space<vmem>> -> memref<1x128x64xf32, #tpu.memory_space<vmem>>
        %dma_start3A_183 = tpu.memref_squeeze %dma_start3A_182 : memref<1x128x64xf32, #tpu.memory_space<vmem>> -> memref<128x64xf32, #tpu.memory_space<vmem>>
        %dma_start3A_184 = arith.constant 0 : i32
        %dma_start3A_185 = tpu.memref_slice %arg9[%rem3A_169, %add3A_179, %dma_start3A_184] : memref<3x2x128xi32, #tpu.memory_space<vmem>> -> memref<1x1x128xi32, #tpu.memory_space<vmem>>
        %dma_start3A_186 = tpu.memref_squeeze %dma_start3A_185 : memref<1x1x128xi32, #tpu.memory_space<vmem>> -> memref<128xi32, #tpu.memory_space<vmem>>
        %dma_start3A_187 = arith.constant 0 : i32
        %dma_start3A_188 = arith.constant 0 : i32
        %dma_start3A_189 = tpu.memref_slice %arg14[%dma_start3A_187, %dma_start3A_188] : memref<10240x64xf32, #tpu.memory_space<vmem_shared>> -> memref<10240x64xf32, #tpu.memory_space<vmem_shared>>
        tpu.enqueue_indirect_dma source(%dma_start3A_183 : memref<128x64xf32, #tpu.memory_space<vmem>>) target(%dma_start3A_189 : memref<10240x64xf32, #tpu.memory_space<vmem_shared>>) offsets(%dma_start3A_186 : memref<128xi32, #tpu.memory_space<vmem>>) semaphore(%arg17 : memref<!tpu.dma_semaphore, #tpu.memory_space<semaphore_mem>>) {add = true}
        %dma_start3A_190 = arith.constant 0 : i32
        %dma_start3A_191 = tpu.memref_slice %arg9[%rem3A_169, %add3A_179, %dma_start3A_190] : memref<3x2x128xi32, #tpu.memory_space<vmem>> -> memref<1x1x128xi32, #tpu.memory_space<vmem>>
        %dma_start3A_192 = tpu.memref_squeeze %dma_start3A_191 : memref<1x1x128xi32, #tpu.memory_space<vmem>> -> memref<128xi32, #tpu.memory_space<vmem>>
        %dma_start3A_193 = arith.constant 0 : i32
        %dma_start3A_194 = arith.constant 0 : i32
        %dma_start3A_195 = tpu.memref_slice %arg15[%dma_start3A_193, %dma_start3A_194] : memref<10240x16xf32, #tpu.memory_space<vmem_shared>> -> memref<10240x16xf32, #tpu.memory_space<vmem_shared>>
        tpu.enqueue_indirect_dma source(%arg11 : memref<128x16xf32, #tpu.memory_space<vmem>>) target(%dma_start3A_195 : memref<10240x16xf32, #tpu.memory_space<vmem_shared>>) offsets(%dma_start3A_192 : memref<128xi32, #tpu.memory_space<vmem>>) semaphore(%arg18 : memref<!tpu.dma_semaphore, #tpu.memory_space<semaphore_mem>>) {add = true}
      }
      %scan3A_174 = arith.constant 2 : i32
    }
    %scan3A_59 = arith.constant 80 : i32
    %scan3A_60 = arith.constant 0 : i32
    %scan3A_61 = arith.constant 2 : i32
    %scan3A_62 = arith.addi %scan3A_60, %scan3A_61 : i32
    %scan3A_63 = arith.constant 1 : i32
    scf.for %scan3A_131 = %scan3A_60 to %scan3A_62 step %scan3A_63  : i32 {
      %mul3A_132 = arith.constant 1 : i32
      %mul3A_133 = arith.muli %scan3A_131, %mul3A_132 : i32
      %add3A_134 = arith.constant 0 : i32
      %add3A_135 = arith.addi %add3A_134, %mul3A_133 : i32
      %dma_wait3A = arith.constant 0 : i32
      %dma_wait3A_136 = arith.constant 0 : i32
      %dma_wait3A_137 = arith.constant 0 : i32
      %dma_wait3A_138 = arith.constant 0 : i32
      %dma_wait3A_139 = arith.constant 0 : i32
      %dma_wait3A_140 = tpu.memref_slice %arg12[%dma_wait3A, %dma_wait3A_138, %dma_wait3A_139] : memref<2x256x64xf32, #tpu.memory_space<vmem>> -> memref<1x128x64xf32, #tpu.memory_space<vmem>>
      %dma_wait3A_141 = tpu.memref_squeeze %dma_wait3A_140 : memref<1x128x64xf32, #tpu.memory_space<vmem>> -> memref<128x64xf32, #tpu.memory_space<vmem>>
      %dma_wait3A_142 = arith.constant 0 : i32
      %dma_wait3A_143 = tpu.memref_slice %arg9[%dma_wait3A_136, %dma_wait3A_137, %dma_wait3A_142] : memref<3x2x128xi32, #tpu.memory_space<vmem>> -> memref<1x1x128xi32, #tpu.memory_space<vmem>>
      %dma_wait3A_144 = tpu.memref_squeeze %dma_wait3A_143 : memref<1x1x128xi32, #tpu.memory_space<vmem>> -> memref<128xi32, #tpu.memory_space<vmem>>
      %dma_wait3A_145 = arith.constant 0 : i32
      %dma_wait3A_146 = arith.constant 0 : i32
      %dma_wait3A_147 = tpu.memref_slice %arg14[%dma_wait3A_145, %dma_wait3A_146] : memref<10240x64xf32, #tpu.memory_space<vmem_shared>> -> memref<10240x64xf32, #tpu.memory_space<vmem_shared>>
      tpu.wait_indirect_dma semaphore(%arg17 : memref<!tpu.dma_semaphore, #tpu.memory_space<semaphore_mem>>) src(%dma_wait3A_141 : memref<128x64xf32, #tpu.memory_space<vmem>>) dst(%dma_wait3A_147 : memref<10240x64xf32, #tpu.memory_space<vmem_shared>>)
    }
    %scan3A_64 = arith.constant 2 : i32
    %scan3A_65 = arith.constant 0 : i32
    %scan3A_66 = arith.constant 160 : i32
    %scan3A_67 = arith.addi %scan3A_65, %scan3A_66 : i32
    %scan3A_68 = arith.constant 1 : i32
    scf.for %scan3A_131 = %scan3A_65 to %scan3A_67 step %scan3A_68  : i32 {
      %mul3A_132 = arith.constant 1 : i32
      %mul3A_133 = arith.muli %scan3A_131, %mul3A_132 : i32
      %add3A_134 = arith.constant 0 : i32
      %add3A_135 = arith.addi %add3A_134, %mul3A_133 : i32
      %dma_wait3A = arith.constant 0 : i32
      %dma_wait3A_136 = arith.constant 0 : i32
      %dma_wait3A_137 = arith.constant 0 : i32
      %dma_wait3A_138 = tpu.memref_slice %arg9[%dma_wait3A, %dma_wait3A_136, %dma_wait3A_137] : memref<3x2x128xi32, #tpu.memory_space<vmem>> -> memref<1x1x128xi32, #tpu.memory_space<vmem>>
      %dma_wait3A_139 = tpu.memref_squeeze %dma_wait3A_138 : memref<1x1x128xi32, #tpu.memory_space<vmem>> -> memref<128xi32, #tpu.memory_space<vmem>>
      %dma_wait3A_140 = arith.constant 0 : i32
      %dma_wait3A_141 = arith.constant 0 : i32
      %dma_wait3A_142 = tpu.memref_slice %arg15[%dma_wait3A_140, %dma_wait3A_141] : memref<10240x16xf32, #tpu.memory_space<vmem_shared>> -> memref<10240x16xf32, #tpu.memory_space<vmem_shared>>
      tpu.wait_indirect_dma semaphore(%arg18 : memref<!tpu.dma_semaphore, #tpu.memory_space<semaphore_mem>>) src(%arg11 : memref<128x16xf32, #tpu.memory_space<vmem>>) dst(%dma_wait3A_142 : memref<10240x16xf32, #tpu.memory_space<vmem_shared>>)
    }
    %scan3A_69 = arith.constant 160 : i32
    %barrier3A_70 = arith.constant 0 : index
    tpu.barrier barrier_id(%barrier3A_70)
    %scan3A_71 = arith.constant 0 : i32
    %scan3A_72 = arith.constant 0 : i32
    %scan3A_73 = arith.constant 0 : i32
    %scan3A_74 = arith.constant 5 : i32
    %scan3A_75 = arith.addi %scan3A_73, %scan3A_74 : i32
    %scan3A_76 = arith.constant 1 : i32
    scf.for %scan3A_131 = %scan3A_73 to %scan3A_75 step %scan3A_76  : i32 {
      %mul3A_132 = arith.constant 1 : i32
      %mul3A_133 = arith.muli %scan3A_131, %mul3A_132 : i32
      %add3A_134 = arith.constant 0 : i32
      %add3A_135 = arith.addi %add3A_134, %mul3A_133 : i32
      %mul3A_136 = arith.constant 128 : i32
      %mul3A_137 = arith.muli %add3A_135, %mul3A_136 : i32
      %add3A_138 = arith.addi %mul3A_0, %mul3A_137 : i32
      "tpu.region"() ({
        %run_scoped3A_149 = tpu.sem_alloc : memref<!tpu.dma_semaphore, #tpu.memory_space<semaphore_mem>>
        %dma_start3A = arith.constant 0 : i32
        %dma_start3A_150 = tpu.memref_slice %arg15[%add3A_138, %dma_start3A] : memref<10240x16xf32, #tpu.memory_space<vmem_shared>> -> memref<128x16xf32, #tpu.memory_space<vmem_shared>>
        %dma_start3A_151 = arith.constant 0 : i32
        %dma_start3A_152 = tpu.memref_slice %arg15[%add3A_138, %dma_start3A_151] : memref<10240x16xf32, #tpu.memory_space<vmem_shared>> -> memref<128x16xf32, #tpu.memory_space<vmem_shared>>
        tpu.enqueue_dma source(%dma_start3A_152 : memref<128x16xf32, #tpu.memory_space<vmem_shared>>) target(%arg10 : memref<128x16xf32, #tpu.memory_space<vmem>>) target_semaphore(%run_scoped3A_149 : memref<!tpu.dma_semaphore, #tpu.memory_space<semaphore_mem>>)
        %dma_wait3A = arith.constant 0 : i32
        %dma_wait3A_153 = tpu.memref_slice %arg15[%add3A_138, %dma_wait3A] : memref<10240x16xf32, #tpu.memory_space<vmem_shared>> -> memref<128x16xf32, #tpu.memory_space<vmem_shared>>
        %dma_wait3A_154 = arith.constant 0 : i32
        %dma_wait3A_155 = tpu.memref_slice %arg15[%add3A_138, %dma_wait3A_154] : memref<10240x16xf32, #tpu.memory_space<vmem_shared>> -> memref<128x16xf32, #tpu.memory_space<vmem_shared>>
        tpu.wait_dma2 semaphore(%run_scoped3A_149 : memref<!tpu.dma_semaphore, #tpu.memory_space<semaphore_mem>>) src(%dma_wait3A_155 : memref<128x16xf32, #tpu.memory_space<vmem_shared>>) dst(%arg10 : memref<128x16xf32, #tpu.memory_space<vmem>>)
        tpu.yield
      }) : () -> ()
      %scan3A_139 = arith.constant 0 : i32
      %scan3A_140 = arith.constant 128 : i32
      %scan3A_141 = arith.addi %scan3A_139, %scan3A_140 : i32
      %scan3A_142 = arith.constant 1 : i32
      scf.for %scan3A_149 = %scan3A_139 to %scan3A_141 step %scan3A_142  : i32 {
        %mul3A_150 = arith.constant 1 : i32
        %mul3A_151 = arith.muli %scan3A_149, %mul3A_150 : i32
        %add3A_152 = arith.constant 0 : i32
        %add3A_153 = arith.addi %add3A_152, %mul3A_151 : i32
        %get3A = arith.index_cast %add3A_153 : i32 to index
        %get3A_154 = arith.constant 0 : index
        %get3A_155 = tpu.vector_load %arg10[%get3A, %get3A_154] {strides = array<i32>} : memref<128x16xf32, #tpu.memory_space<vmem>>, vector<1x16xf32>,
        %get3A_156 = vector.shape_cast %get3A_155 : vector<1x16xf32> to vector<16xf32>
        %max3A = arith.constant 1.000000e+00 : f32
        %max3A_157 = vector.broadcast %max3A : f32 to vector<16xf32>
        %max3A_158 = arith.maximumf %get3A_156, %max3A_157 : vector<16xf32>
        %div3A = arith.constant 1.000000e+00 : f32
        %div3A_159 = vector.broadcast %div3A : f32 to vector<16xf32>
        %div3A_160 = arith.divf %div3A_159, %max3A_158 : vector<16xf32>
        %swap3A = arith.index_cast %add3A_153 : i32 to index
        %swap3A_161 = arith.constant 0 : index
        %swap3A_162 = tpu.vector_load %arg10[%swap3A, %swap3A_161] {strides = array<i32>} : memref<128x16xf32, #tpu.memory_space<vmem>>, vector<1x16xf32>,
        %swap3A_163 = vector.shape_cast %swap3A_162 : vector<1x16xf32> to vector<16xf32>
        %swap3A_164 = vector.shape_cast %div3A_160 : vector<16xf32> to vector<1x16xf32>
        tpu.vector_store %arg10[%swap3A, %swap3A_161], %swap3A_164 {strides = array<i32>} : memref<128x16xf32, #tpu.memory_space<vmem>>, vector<1x16xf32>,
      }
      %scan3A_143 = arith.constant 128 : i32
      "tpu.region"() ({
        %run_scoped3A_149 = tpu.sem_alloc : memref<!tpu.dma_semaphore, #tpu.memory_space<semaphore_mem>>
        %dma_start3A = arith.constant 0 : i32
        %dma_start3A_150 = tpu.memref_slice %arg15[%add3A_138, %dma_start3A] : memref<10240x16xf32, #tpu.memory_space<vmem_shared>> -> memref<128x16xf32, #tpu.memory_space<vmem_shared>>
        %dma_start3A_151 = arith.constant 0 : i32
        %dma_start3A_152 = tpu.memref_slice %arg15[%add3A_138, %dma_start3A_151] : memref<10240x16xf32, #tpu.memory_space<vmem_shared>> -> memref<128x16xf32, #tpu.memory_space<vmem_shared>>
        tpu.enqueue_dma source(%arg10 : memref<128x16xf32, #tpu.memory_space<vmem>>) target(%dma_start3A_152 : memref<128x16xf32, #tpu.memory_space<vmem_shared>>) target_semaphore(%run_scoped3A_149 : memref<!tpu.dma_semaphore, #tpu.memory_space<semaphore_mem>>)
        %dma_wait3A = arith.constant 0 : i32
        %dma_wait3A_153 = tpu.memref_slice %arg15[%add3A_138, %dma_wait3A] : memref<10240x16xf32, #tpu.memory_space<vmem_shared>> -> memref<128x16xf32, #tpu.memory_space<vmem_shared>>
        %dma_wait3A_154 = arith.constant 0 : i32
        %dma_wait3A_155 = tpu.memref_slice %arg15[%add3A_138, %dma_wait3A_154] : memref<10240x16xf32, #tpu.memory_space<vmem_shared>> -> memref<128x16xf32, #tpu.memory_space<vmem_shared>>
        tpu.wait_dma2 semaphore(%run_scoped3A_149 : memref<!tpu.dma_semaphore, #tpu.memory_space<semaphore_mem>>) src(%arg10 : memref<128x16xf32, #tpu.memory_space<vmem>>) dst(%dma_wait3A_155 : memref<128x16xf32, #tpu.memory_space<vmem_shared>>)
        tpu.yield
      }) : () -> ()
      "tpu.region"() ({
        %run_scoped3A_149 = tpu.sem_alloc : memref<!tpu.dma_semaphore, #tpu.memory_space<semaphore_mem>>
        %dma_start3A = arith.constant 0 : i32
        %dma_start3A_150 = arith.constant 0 : i32
        %dma_start3A_151 = tpu.memref_slice %arg12[%scan3A_71, %dma_start3A, %dma_start3A_150] : memref<2x256x64xf32, #tpu.memory_space<vmem>> -> memref<1x128x64xf32, #tpu.memory_space<vmem>>
        %dma_start3A_152 = tpu.memref_squeeze %dma_start3A_151 : memref<1x128x64xf32, #tpu.memory_space<vmem>> -> memref<128x64xf32, #tpu.memory_space<vmem>>
        %dma_start3A_153 = arith.constant 0 : i32
        %dma_start3A_154 = tpu.memref_slice %arg14[%add3A_138, %dma_start3A_153] : memref<10240x64xf32, #tpu.memory_space<vmem_shared>> -> memref<128x64xf32, #tpu.memory_space<vmem_shared>>
        %dma_start3A_155 = arith.constant 0 : i32
        %dma_start3A_156 = arith.constant 0 : i32
        %dma_start3A_157 = tpu.memref_slice %arg12[%scan3A_71, %dma_start3A_155, %dma_start3A_156] : memref<2x256x64xf32, #tpu.memory_space<vmem>> -> memref<1x128x64xf32, #tpu.memory_space<vmem>>
        %dma_start3A_158 = tpu.memref_squeeze %dma_start3A_157 : memref<1x128x64xf32, #tpu.memory_space<vmem>> -> memref<128x64xf32, #tpu.memory_space<vmem>>
        %dma_start3A_159 = arith.constant 0 : i32
        %dma_start3A_160 = tpu.memref_slice %arg14[%add3A_138, %dma_start3A_159] : memref<10240x64xf32, #tpu.memory_space<vmem_shared>> -> memref<128x64xf32, #tpu.memory_space<vmem_shared>>
        tpu.enqueue_dma source(%dma_start3A_160 : memref<128x64xf32, #tpu.memory_space<vmem_shared>>) target(%dma_start3A_158 : memref<128x64xf32, #tpu.memory_space<vmem>>) target_semaphore(%run_scoped3A_149 : memref<!tpu.dma_semaphore, #tpu.memory_space<semaphore_mem>>)
        %dma_wait3A = arith.constant 0 : i32
        %dma_wait3A_161 = arith.constant 0 : i32
        %dma_wait3A_162 = tpu.memref_slice %arg12[%scan3A_71, %dma_wait3A, %dma_wait3A_161] : memref<2x256x64xf32, #tpu.memory_space<vmem>> -> memref<1x128x64xf32, #tpu.memory_space<vmem>>
        %dma_wait3A_163 = tpu.memref_squeeze %dma_wait3A_162 : memref<1x128x64xf32, #tpu.memory_space<vmem>> -> memref<128x64xf32, #tpu.memory_space<vmem>>
        %dma_wait3A_164 = arith.constant 0 : i32
        %dma_wait3A_165 = tpu.memref_slice %arg14[%add3A_138, %dma_wait3A_164] : memref<10240x64xf32, #tpu.memory_space<vmem_shared>> -> memref<128x64xf32, #tpu.memory_space<vmem_shared>>
        %dma_wait3A_166 = arith.constant 0 : i32
        %dma_wait3A_167 = arith.constant 0 : i32
        %dma_wait3A_168 = tpu.memref_slice %arg12[%scan3A_71, %dma_wait3A_166, %dma_wait3A_167] : memref<2x256x64xf32, #tpu.memory_space<vmem>> -> memref<1x128x64xf32, #tpu.memory_space<vmem>>
        %dma_wait3A_169 = tpu.memref_squeeze %dma_wait3A_168 : memref<1x128x64xf32, #tpu.memory_space<vmem>> -> memref<128x64xf32, #tpu.memory_space<vmem>>
        %dma_wait3A_170 = arith.constant 0 : i32
        %dma_wait3A_171 = tpu.memref_slice %arg14[%add3A_138, %dma_wait3A_170] : memref<10240x64xf32, #tpu.memory_space<vmem_shared>> -> memref<128x64xf32, #tpu.memory_space<vmem_shared>>
        tpu.wait_dma2 semaphore(%run_scoped3A_149 : memref<!tpu.dma_semaphore, #tpu.memory_space<semaphore_mem>>) src(%dma_wait3A_171 : memref<128x64xf32, #tpu.memory_space<vmem_shared>>) dst(%dma_wait3A_169 : memref<128x64xf32, #tpu.memory_space<vmem>>)
        tpu.yield
      }) : () -> ()
      %scan3A_144 = arith.constant 0 : i32
      %scan3A_145 = arith.constant 128 : i32
      %scan3A_146 = arith.addi %scan3A_144, %scan3A_145 : i32
      %scan3A_147 = arith.constant 1 : i32
      scf.for %scan3A_149 = %scan3A_144 to %scan3A_146 step %scan3A_147  : i32 {
        %mul3A_150 = arith.constant 1 : i32
        %mul3A_151 = arith.muli %scan3A_149, %mul3A_150 : i32
        %add3A_152 = arith.constant 0 : i32
        %add3A_153 = arith.addi %add3A_152, %mul3A_151 : i32
        %get3A = arith.index_cast %add3A_153 : i32 to index
        %get3A_154 = arith.constant 0 : index
        %get3A_155 = tpu.vector_load %arg10[%get3A, %get3A_154] {strides = array<i32>} : memref<128x16xf32, #tpu.memory_space<vmem>>, vector<1x16xf32>,
        %get3A_156 = vector.shape_cast %get3A_155 : vector<1x16xf32> to vector<16xf32>
        %scan3A_157 = arith.constant 0 : i32
        %scan3A_158 = arith.constant 4 : i32
        %scan3A_159 = arith.addi %scan3A_157, %scan3A_158 : i32
        %scan3A_160 = arith.constant 1 : i32
        scf.for %scan3A_162 = %scan3A_157 to %scan3A_159 step %scan3A_160  : i32 {
          %mul3A_163 = arith.constant 1 : i32
          %mul3A_164 = arith.muli %scan3A_162, %mul3A_163 : i32
          %add3A_165 = arith.constant 0 : i32
          %add3A_166 = arith.addi %add3A_165, %mul3A_164 : i32
          %mul3A_167 = arith.constant 16 : i32
          %mul3A_168 = arith.muli %add3A_166, %mul3A_167 : i32
          %get3A_169 = arith.constant 0 : i32
          %get3A_170 = arith.constant 0 : i32
          %get3A_171 = tpu.memref_slice %arg12[%scan3A_72, %get3A_169, %get3A_170] : memref<2x256x64xf32, #tpu.memory_space<vmem>> -> memref<1x256x64xf32, #tpu.memory_space<vmem>>
          %get3A_172 = tpu.memref_squeeze %get3A_171 : memref<1x256x64xf32, #tpu.memory_space<vmem>> -> memref<256x64xf32, #tpu.memory_space<vmem>>
          %get3A_173 = arith.index_cast %add3A_153 : i32 to index
          %get3A_174 = arith.index_cast %mul3A_168 : i32 to index
          %get3A_175 = tpu.vector_load %get3A_172[%get3A_173, %get3A_174] {strides = array<i32>} : memref<256x64xf32, #tpu.memory_space<vmem>>, vector<1x16xf32>,
          %get3A_176 = vector.shape_cast %get3A_175 : vector<1x16xf32> to vector<16xf32>
          %mul3A_177 = arith.mulf %get3A_176, %get3A_156 : vector<16xf32>
          %swap3A = arith.constant 0 : i32
          %swap3A_178 = arith.constant 0 : i32
          %swap3A_179 = tpu.memref_slice %arg12[%scan3A_72, %swap3A, %swap3A_178] : memref<2x256x64xf32, #tpu.memory_space<vmem>> -> memref<1x256x64xf32, #tpu.memory_space<vmem>>
          %swap3A_180 = tpu.memref_squeeze %swap3A_179 : memref<1x256x64xf32, #tpu.memory_space<vmem>> -> memref<256x64xf32, #tpu.memory_space<vmem>>
          %swap3A_181 = arith.index_cast %add3A_153 : i32 to index
          %swap3A_182 = arith.index_cast %mul3A_168 : i32 to index
          %swap3A_183 = tpu.vector_load %swap3A_180[%swap3A_181, %swap3A_182] {strides = array<i32>} : memref<256x64xf32, #tpu.memory_space<vmem>>, vector<1x16xf32>,
          %swap3A_184 = vector.shape_cast %swap3A_183 : vector<1x16xf32> to vector<16xf32>
          %swap3A_185 = vector.shape_cast %mul3A_177 : vector<16xf32> to vector<1x16xf32>
          tpu.vector_store %swap3A_180[%swap3A_181, %swap3A_182], %swap3A_185 {strides = array<i32>} : memref<256x64xf32, #tpu.memory_space<vmem>>, vector<1x16xf32>,
        }
        %scan3A_161 = arith.constant 4 : i32
      }
      %scan3A_148 = arith.constant 128 : i32
      "tpu.region"() ({
        %run_scoped3A_149 = tpu.sem_alloc : memref<!tpu.dma_semaphore, #tpu.memory_space<semaphore_mem>>
        %dma_start3A = arith.constant 0 : i32
        %dma_start3A_150 = arith.constant 0 : i32
        %dma_start3A_151 = tpu.memref_slice %arg12[%scan3A_71, %dma_start3A, %dma_start3A_150] : memref<2x256x64xf32, #tpu.memory_space<vmem>> -> memref<1x128x64xf32, #tpu.memory_space<vmem>>
        %dma_start3A_152 = tpu.memref_squeeze %dma_start3A_151 : memref<1x128x64xf32, #tpu.memory_space<vmem>> -> memref<128x64xf32, #tpu.memory_space<vmem>>
        %dma_start3A_153 = arith.constant 0 : i32
        %dma_start3A_154 = tpu.memref_slice %arg14[%add3A_138, %dma_start3A_153] : memref<10240x64xf32, #tpu.memory_space<vmem_shared>> -> memref<128x64xf32, #tpu.memory_space<vmem_shared>>
        %dma_start3A_155 = arith.constant 0 : i32
        %dma_start3A_156 = tpu.memref_slice %arg14[%add3A_138, %dma_start3A_155] : memref<10240x64xf32, #tpu.memory_space<vmem_shared>> -> memref<128x64xf32, #tpu.memory_space<vmem_shared>>
        %dma_start3A_157 = arith.constant 0 : i32
        %dma_start3A_158 = arith.constant 0 : i32
        %dma_start3A_159 = tpu.memref_slice %arg12[%scan3A_71, %dma_start3A_157, %dma_start3A_158] : memref<2x256x64xf32, #tpu.memory_space<vmem>> -> memref<1x128x64xf32, #tpu.memory_space<vmem>>
        %dma_start3A_160 = tpu.memref_squeeze %dma_start3A_159 : memref<1x128x64xf32, #tpu.memory_space<vmem>> -> memref<128x64xf32, #tpu.memory_space<vmem>>
        tpu.enqueue_dma source(%dma_start3A_160 : memref<128x64xf32, #tpu.memory_space<vmem>>) target(%dma_start3A_156 : memref<128x64xf32, #tpu.memory_space<vmem_shared>>) target_semaphore(%run_scoped3A_149 : memref<!tpu.dma_semaphore, #tpu.memory_space<semaphore_mem>>)
        %dma_wait3A = arith.constant 0 : i32
        %dma_wait3A_161 = arith.constant 0 : i32
        %dma_wait3A_162 = tpu.memref_slice %arg12[%scan3A_71, %dma_wait3A, %dma_wait3A_161] : memref<2x256x64xf32, #tpu.memory_space<vmem>> -> memref<1x128x64xf32, #tpu.memory_space<vmem>>
        %dma_wait3A_163 = tpu.memref_squeeze %dma_wait3A_162 : memref<1x128x64xf32, #tpu.memory_space<vmem>> -> memref<128x64xf32, #tpu.memory_space<vmem>>
        %dma_wait3A_164 = arith.constant 0 : i32
        %dma_wait3A_165 = tpu.memref_slice %arg14[%add3A_138, %dma_wait3A_164] : memref<10240x64xf32, #tpu.memory_space<vmem_shared>> -> memref<128x64xf32, #tpu.memory_space<vmem_shared>>
        %dma_wait3A_166 = arith.constant 0 : i32
        %dma_wait3A_167 = tpu.memref_slice %arg14[%add3A_138, %dma_wait3A_166] : memref<10240x64xf32, #tpu.memory_space<vmem_shared>> -> memref<128x64xf32, #tpu.memory_space<vmem_shared>>
        %dma_wait3A_168 = arith.constant 0 : i32
        %dma_wait3A_169 = arith.constant 0 : i32
        %dma_wait3A_170 = tpu.memref_slice %arg12[%scan3A_71, %dma_wait3A_168, %dma_wait3A_169] : memref<2x256x64xf32, #tpu.memory_space<vmem>> -> memref<1x128x64xf32, #tpu.memory_space<vmem>>
        %dma_wait3A_171 = tpu.memref_squeeze %dma_wait3A_170 : memref<1x128x64xf32, #tpu.memory_space<vmem>> -> memref<128x64xf32, #tpu.memory_space<vmem>>
        tpu.wait_dma2 semaphore(%run_scoped3A_149 : memref<!tpu.dma_semaphore, #tpu.memory_space<semaphore_mem>>) src(%dma_wait3A_171 : memref<128x64xf32, #tpu.memory_space<vmem>>) dst(%dma_wait3A_167 : memref<128x64xf32, #tpu.memory_space<vmem_shared>>)
        tpu.yield
      }) : () -> ()
    }
    %scan3A_77 = arith.constant 5 : i32
    %broadcast_in_dim3A_78 = arith.constant 0.000000e+00 : f32
    %broadcast_in_dim3A_79 = vector.broadcast %broadcast_in_dim3A_78 : f32 to vector<16xf32>
    %scan3A_80 = arith.constant 0 : i32
    %scan3A_81 = arith.constant 0 : i32
    %scan3A_82 = arith.constant 128 : i32
    %scan3A_83 = arith.addi %scan3A_81, %scan3A_82 : i32
    %scan3A_84 = arith.constant 1 : i32
    scf.for %scan3A_131 = %scan3A_81 to %scan3A_83 step %scan3A_84  : i32 {
      %mul3A_132 = arith.constant 1 : i32
      %mul3A_133 = arith.muli %scan3A_131, %mul3A_132 : i32
      %add3A_134 = arith.constant 0 : i32
      %add3A_135 = arith.addi %add3A_134, %mul3A_133 : i32
      %scan3A_136 = arith.constant 0 : i32
      %scan3A_137 = arith.constant 4 : i32
      %scan3A_138 = arith.addi %scan3A_136, %scan3A_137 : i32
      %scan3A_139 = arith.constant 1 : i32
      scf.for %scan3A_141 = %scan3A_136 to %scan3A_138 step %scan3A_139  : i32 {
        %mul3A_142 = arith.constant 1 : i32
        %mul3A_143 = arith.muli %scan3A_141, %mul3A_142 : i32
        %add3A_144 = arith.constant 0 : i32
        %add3A_145 = arith.addi %add3A_144, %mul3A_143 : i32
        %mul3A_146 = arith.constant 16 : i32
        %mul3A_147 = arith.muli %add3A_145, %mul3A_146 : i32
        %swap3A = arith.constant 0 : i32
        %swap3A_148 = arith.constant 0 : i32
        %swap3A_149 = tpu.memref_slice %arg12[%scan3A_80, %swap3A, %swap3A_148] : memref<2x256x64xf32, #tpu.memory_space<vmem>> -> memref<1x256x64xf32, #tpu.memory_space<vmem>>
        %swap3A_150 = tpu.memref_squeeze %swap3A_149 : memref<1x256x64xf32, #tpu.memory_space<vmem>> -> memref<256x64xf32, #tpu.memory_space<vmem>>
        %swap3A_151 = arith.index_cast %add3A_135 : i32 to index
        %swap3A_152 = arith.index_cast %mul3A_147 : i32 to index
        %swap3A_153 = tpu.vector_load %swap3A_150[%swap3A_151, %swap3A_152] {strides = array<i32>} : memref<256x64xf32, #tpu.memory_space<vmem>>, vector<1x16xf32>,
        %swap3A_154 = vector.shape_cast %swap3A_153 : vector<1x16xf32> to vector<16xf32>
        %swap3A_155 = vector.shape_cast %broadcast_in_dim3A_79 : vector<16xf32> to vector<1x16xf32>
        tpu.vector_store %swap3A_150[%swap3A_151, %swap3A_152], %swap3A_155 {strides = array<i32>} : memref<256x64xf32, #tpu.memory_space<vmem>>, vector<1x16xf32>,
      }
      %scan3A_140 = arith.constant 4 : i32
    }
    %scan3A_85 = arith.constant 128 : i32
    %scan3A_86 = arith.constant 0 : i32
    %scan3A_87 = arith.constant 0 : i32
    %scan3A_88 = arith.constant 5 : i32
    %scan3A_89 = arith.addi %scan3A_87, %scan3A_88 : i32
    %scan3A_90 = arith.constant 1 : i32
    scf.for %scan3A_131 = %scan3A_87 to %scan3A_89 step %scan3A_90  : i32 {
      %mul3A_132 = arith.constant 1 : i32
      %mul3A_133 = arith.muli %scan3A_131, %mul3A_132 : i32
      %add3A_134 = arith.constant 0 : i32
      %add3A_135 = arith.addi %add3A_134, %mul3A_133 : i32
      %mul3A_136 = arith.constant 128 : i32
      %mul3A_137 = arith.muli %add3A_135, %mul3A_136 : i32
      %add3A_138 = arith.addi %mul3A_0, %mul3A_137 : i32
      "tpu.region"() ({
        %run_scoped3A_139 = tpu.sem_alloc : memref<!tpu.dma_semaphore, #tpu.memory_space<semaphore_mem>>
        %dma_start3A = arith.constant 0 : i32
        %dma_start3A_140 = arith.constant 0 : i32
        %dma_start3A_141 = tpu.memref_slice %arg12[%scan3A_86, %dma_start3A, %dma_start3A_140] : memref<2x256x64xf32, #tpu.memory_space<vmem>> -> memref<1x128x64xf32, #tpu.memory_space<vmem>>
        %dma_start3A_142 = tpu.memref_squeeze %dma_start3A_141 : memref<1x128x64xf32, #tpu.memory_space<vmem>> -> memref<128x64xf32, #tpu.memory_space<vmem>>
        %dma_start3A_143 = arith.constant 0 : i32
        %dma_start3A_144 = tpu.memref_slice %arg13[%add3A_138, %dma_start3A_143] : memref<10240x64xf32, #tpu.memory_space<vmem_shared>> -> memref<128x64xf32, #tpu.memory_space<vmem_shared>>
        %dma_start3A_145 = arith.constant 0 : i32
        %dma_start3A_146 = tpu.memref_slice %arg13[%add3A_138, %dma_start3A_145] : memref<10240x64xf32, #tpu.memory_space<vmem_shared>> -> memref<128x64xf32, #tpu.memory_space<vmem_shared>>
        %dma_start3A_147 = arith.constant 0 : i32
        %dma_start3A_148 = arith.constant 0 : i32
        %dma_start3A_149 = tpu.memref_slice %arg12[%scan3A_86, %dma_start3A_147, %dma_start3A_148] : memref<2x256x64xf32, #tpu.memory_space<vmem>> -> memref<1x128x64xf32, #tpu.memory_space<vmem>>
        %dma_start3A_150 = tpu.memref_squeeze %dma_start3A_149 : memref<1x128x64xf32, #tpu.memory_space<vmem>> -> memref<128x64xf32, #tpu.memory_space<vmem>>
        tpu.enqueue_dma source(%dma_start3A_150 : memref<128x64xf32, #tpu.memory_space<vmem>>) target(%dma_start3A_146 : memref<128x64xf32, #tpu.memory_space<vmem_shared>>) target_semaphore(%run_scoped3A_139 : memref<!tpu.dma_semaphore, #tpu.memory_space<semaphore_mem>>)
        %dma_wait3A = arith.constant 0 : i32
        %dma_wait3A_151 = arith.constant 0 : i32
        %dma_wait3A_152 = tpu.memref_slice %arg12[%scan3A_86, %dma_wait3A, %dma_wait3A_151] : memref<2x256x64xf32, #tpu.memory_space<vmem>> -> memref<1x128x64xf32, #tpu.memory_space<vmem>>
        %dma_wait3A_153 = tpu.memref_squeeze %dma_wait3A_152 : memref<1x128x64xf32, #tpu.memory_space<vmem>> -> memref<128x64xf32, #tpu.memory_space<vmem>>
        %dma_wait3A_154 = arith.constant 0 : i32
        %dma_wait3A_155 = tpu.memref_slice %arg13[%add3A_138, %dma_wait3A_154] : memref<10240x64xf32, #tpu.memory_space<vmem_shared>> -> memref<128x64xf32, #tpu.memory_space<vmem_shared>>
        %dma_wait3A_156 = arith.constant 0 : i32
        %dma_wait3A_157 = tpu.memref_slice %arg13[%add3A_138, %dma_wait3A_156] : memref<10240x64xf32, #tpu.memory_space<vmem_shared>> -> memref<128x64xf32, #tpu.memory_space<vmem_shared>>
        %dma_wait3A_158 = arith.constant 0 : i32
        %dma_wait3A_159 = arith.constant 0 : i32
        %dma_wait3A_160 = tpu.memref_slice %arg12[%scan3A_86, %dma_wait3A_158, %dma_wait3A_159] : memref<2x256x64xf32, #tpu.memory_space<vmem>> -> memref<1x128x64xf32, #tpu.memory_space<vmem>>
        %dma_wait3A_161 = tpu.memref_squeeze %dma_wait3A_160 : memref<1x128x64xf32, #tpu.memory_space<vmem>> -> memref<128x64xf32, #tpu.memory_space<vmem>>
        tpu.wait_dma2 semaphore(%run_scoped3A_139 : memref<!tpu.dma_semaphore, #tpu.memory_space<semaphore_mem>>) src(%dma_wait3A_161 : memref<128x64xf32, #tpu.memory_space<vmem>>) dst(%dma_wait3A_157 : memref<128x64xf32, #tpu.memory_space<vmem_shared>>)
        tpu.yield
      }) : () -> ()
    }
    %scan3A_91 = arith.constant 5 : i32
    %barrier3A_92 = arith.constant 0 : index
    tpu.barrier barrier_id(%barrier3A_92)
    %add3A_93 = arith.constant 0 : i32
    %add3A_94 = arith.addi %mul3A_2, %add3A_93 : i32
    %run_scoped3A_95 = arith.constant 0 : i32
    "tpu.region"() ({
      %run_scoped3A_131 = tpu.sem_alloc : memref<!tpu.dma_semaphore, #tpu.memory_space<semaphore_mem>>
      %dma_start3A = arith.constant 0 : i32
      %dma_start3A_132 = arith.constant 0 : i32
      %dma_start3A_133 = tpu.memref_slice %arg8[%run_scoped3A_95, %dma_start3A, %dma_start3A_132] : memref<3x2x128xi32, #tpu.memory_space<vmem>> -> memref<1x2x128xi32, #tpu.memory_space<vmem>>
      %dma_start3A_134 = tpu.memref_squeeze %dma_start3A_133 : memref<1x2x128xi32, #tpu.memory_space<vmem>> -> memref<2x128xi32, #tpu.memory_space<vmem>>
      %dma_start3A_135 = arith.constant 0 : i32
      %dma_start3A_136 = tpu.memref_slice %arg4[%add3A_94, %dma_start3A_135] : memref<2560x128xi32, #tpu.memory_space<hbm>> -> memref<2x128xi32, #tpu.memory_space<hbm>>
      %dma_start3A_137 = arith.constant 0 : i32
      %dma_start3A_138 = arith.constant 0 : i32
      %dma_start3A_139 = tpu.memref_slice %arg8[%run_scoped3A_95, %dma_start3A_137, %dma_start3A_138] : memref<3x2x128xi32, #tpu.memory_space<vmem>> -> memref<1x2x128xi32, #tpu.memory_space<vmem>>
      %dma_start3A_140 = tpu.memref_squeeze %dma_start3A_139 : memref<1x2x128xi32, #tpu.memory_space<vmem>> -> memref<2x128xi32, #tpu.memory_space<vmem>>
      %dma_start3A_141 = arith.constant 0 : i32
      %dma_start3A_142 = tpu.memref_slice %arg4[%add3A_94, %dma_start3A_141] : memref<2560x128xi32, #tpu.memory_space<hbm>> -> memref<2x128xi32, #tpu.memory_space<hbm>>
      tpu.enqueue_dma source(%dma_start3A_142 : memref<2x128xi32, #tpu.memory_space<hbm>>) target(%dma_start3A_140 : memref<2x128xi32, #tpu.memory_space<vmem>>) target_semaphore(%run_scoped3A_131 : memref<!tpu.dma_semaphore, #tpu.memory_space<semaphore_mem>>)
      %dma_wait3A = arith.constant 0 : i32
      %dma_wait3A_143 = arith.constant 0 : i32
      %dma_wait3A_144 = tpu.memref_slice %arg8[%run_scoped3A_95, %dma_wait3A, %dma_wait3A_143] : memref<3x2x128xi32, #tpu.memory_space<vmem>> -> memref<1x2x128xi32, #tpu.memory_space<vmem>>
      %dma_wait3A_145 = tpu.memref_squeeze %dma_wait3A_144 : memref<1x2x128xi32, #tpu.memory_space<vmem>> -> memref<2x128xi32, #tpu.memory_space<vmem>>
      %dma_wait3A_146 = arith.constant 0 : i32
      %dma_wait3A_147 = tpu.memref_slice %arg4[%add3A_94, %dma_wait3A_146] : memref<2560x128xi32, #tpu.memory_space<hbm>> -> memref<2x128xi32, #tpu.memory_space<hbm>>
      %dma_wait3A_148 = arith.constant 0 : i32
      %dma_wait3A_149 = arith.constant 0 : i32
      %dma_wait3A_150 = tpu.memref_slice %arg8[%run_scoped3A_95, %dma_wait3A_148, %dma_wait3A_149] : memref<3x2x128xi32, #tpu.memory_space<vmem>> -> memref<1x2x128xi32, #tpu.memory_space<vmem>>
      %dma_wait3A_151 = tpu.memref_squeeze %dma_wait3A_150 : memref<1x2x128xi32, #tpu.memory_space<vmem>> -> memref<2x128xi32, #tpu.memory_space<vmem>>
      %dma_wait3A_152 = arith.constant 0 : i32
      %dma_wait3A_153 = tpu.memref_slice %arg4[%add3A_94, %dma_wait3A_152] : memref<2560x128xi32, #tpu.memory_space<hbm>> -> memref<2x128xi32, #tpu.memory_space<hbm>>
      tpu.wait_dma2 semaphore(%run_scoped3A_131 : memref<!tpu.dma_semaphore, #tpu.memory_space<semaphore_mem>>) src(%dma_wait3A_153 : memref<2x128xi32, #tpu.memory_space<hbm>>) dst(%dma_wait3A_151 : memref<2x128xi32, #tpu.memory_space<vmem>>)
      tpu.yield
    }) : () -> ()
    %add3A_96 = arith.constant 0 : i32
    %add3A_97 = arith.addi %mul3A_2, %add3A_96 : i32
    %run_scoped3A_98 = arith.constant 0 : i32
    "tpu.region"() ({
      %run_scoped3A_131 = tpu.sem_alloc : memref<!tpu.dma_semaphore, #tpu.memory_space<semaphore_mem>>
      %dma_start3A = arith.constant 0 : i32
      %dma_start3A_132 = arith.constant 0 : i32
      %dma_start3A_133 = tpu.memref_slice %arg9[%run_scoped3A_98, %dma_start3A, %dma_start3A_132] : memref<3x2x128xi32, #tpu.memory_space<vmem>> -> memref<1x2x128xi32, #tpu.memory_space<vmem>>
      %dma_start3A_134 = tpu.memref_squeeze %dma_start3A_133 : memref<1x2x128xi32, #tpu.memory_space<vmem>> -> memref<2x128xi32, #tpu.memory_space<vmem>>
      %dma_start3A_135 = arith.constant 0 : i32
      %dma_start3A_136 = tpu.memref_slice %arg5[%add3A_97, %dma_start3A_135] : memref<2560x128xi32, #tpu.memory_space<hbm>> -> memref<2x128xi32, #tpu.memory_space<hbm>>
      %dma_start3A_137 = arith.constant 0 : i32
      %dma_start3A_138 = arith.constant 0 : i32
      %dma_start3A_139 = tpu.memref_slice %arg9[%run_scoped3A_98, %dma_start3A_137, %dma_start3A_138] : memref<3x2x128xi32, #tpu.memory_space<vmem>> -> memref<1x2x128xi32, #tpu.memory_space<vmem>>
      %dma_start3A_140 = tpu.memref_squeeze %dma_start3A_139 : memref<1x2x128xi32, #tpu.memory_space<vmem>> -> memref<2x128xi32, #tpu.memory_space<vmem>>
      %dma_start3A_141 = arith.constant 0 : i32
      %dma_start3A_142 = tpu.memref_slice %arg5[%add3A_97, %dma_start3A_141] : memref<2560x128xi32, #tpu.memory_space<hbm>> -> memref<2x128xi32, #tpu.memory_space<hbm>>
      tpu.enqueue_dma source(%dma_start3A_142 : memref<2x128xi32, #tpu.memory_space<hbm>>) target(%dma_start3A_140 : memref<2x128xi32, #tpu.memory_space<vmem>>) target_semaphore(%run_scoped3A_131 : memref<!tpu.dma_semaphore, #tpu.memory_space<semaphore_mem>>)
      %dma_wait3A = arith.constant 0 : i32
      %dma_wait3A_143 = arith.constant 0 : i32
      %dma_wait3A_144 = tpu.memref_slice %arg9[%run_scoped3A_98, %dma_wait3A, %dma_wait3A_143] : memref<3x2x128xi32, #tpu.memory_space<vmem>> -> memref<1x2x128xi32, #tpu.memory_space<vmem>>
      %dma_wait3A_145 = tpu.memref_squeeze %dma_wait3A_144 : memref<1x2x128xi32, #tpu.memory_space<vmem>> -> memref<2x128xi32, #tpu.memory_space<vmem>>
      %dma_wait3A_146 = arith.constant 0 : i32
      %dma_wait3A_147 = tpu.memref_slice %arg5[%add3A_97, %dma_wait3A_146] : memref<2560x128xi32, #tpu.memory_space<hbm>> -> memref<2x128xi32, #tpu.memory_space<hbm>>
      %dma_wait3A_148 = arith.constant 0 : i32
      %dma_wait3A_149 = arith.constant 0 : i32
      %dma_wait3A_150 = tpu.memref_slice %arg9[%run_scoped3A_98, %dma_wait3A_148, %dma_wait3A_149] : memref<3x2x128xi32, #tpu.memory_space<vmem>> -> memref<1x2x128xi32, #tpu.memory_space<vmem>>
      %dma_wait3A_151 = tpu.memref_squeeze %dma_wait3A_150 : memref<1x2x128xi32, #tpu.memory_space<vmem>> -> memref<2x128xi32, #tpu.memory_space<vmem>>
      %dma_wait3A_152 = arith.constant 0 : i32
      %dma_wait3A_153 = tpu.memref_slice %arg5[%add3A_97, %dma_wait3A_152] : memref<2560x128xi32, #tpu.memory_space<hbm>> -> memref<2x128xi32, #tpu.memory_space<hbm>>
      tpu.wait_dma2 semaphore(%run_scoped3A_131 : memref<!tpu.dma_semaphore, #tpu.memory_space<semaphore_mem>>) src(%dma_wait3A_153 : memref<2x128xi32, #tpu.memory_space<hbm>>) dst(%dma_wait3A_151 : memref<2x128xi32, #tpu.memory_space<vmem>>)
      tpu.yield
    }) : () -> ()
    %add3A_99 = arith.constant 2 : i32
    %add3A_100 = arith.addi %mul3A_2, %add3A_99 : i32
    %run_scoped3A_101 = arith.constant 1 : i32
    "tpu.region"() ({
      %run_scoped3A_131 = tpu.sem_alloc : memref<!tpu.dma_semaphore, #tpu.memory_space<semaphore_mem>>
      %dma_start3A = arith.constant 0 : i32
      %dma_start3A_132 = arith.constant 0 : i32
      %dma_start3A_133 = tpu.memref_slice %arg8[%run_scoped3A_101, %dma_start3A, %dma_start3A_132] : memref<3x2x128xi32, #tpu.memory_space<vmem>> -> memref<1x2x128xi32, #tpu.memory_space<vmem>>
      %dma_start3A_134 = tpu.memref_squeeze %dma_start3A_133 : memref<1x2x128xi32, #tpu.memory_space<vmem>> -> memref<2x128xi32, #tpu.memory_space<vmem>>
      %dma_start3A_135 = arith.constant 0 : i32
      %dma_start3A_136 = tpu.memref_slice %arg4[%add3A_100, %dma_start3A_135] : memref<2560x128xi32, #tpu.memory_space<hbm>> -> memref<2x128xi32, #tpu.memory_space<hbm>>
      %dma_start3A_137 = arith.constant 0 : i32
      %dma_start3A_138 = arith.constant 0 : i32
      %dma_start3A_139 = tpu.memref_slice %arg8[%run_scoped3A_101, %dma_start3A_137, %dma_start3A_138] : memref<3x2x128xi32, #tpu.memory_space<vmem>> -> memref<1x2x128xi32, #tpu.memory_space<vmem>>
      %dma_start3A_140 = tpu.memref_squeeze %dma_start3A_139 : memref<1x2x128xi32, #tpu.memory_space<vmem>> -> memref<2x128xi32, #tpu.memory_space<vmem>>
      %dma_start3A_141 = arith.constant 0 : i32
      %dma_start3A_142 = tpu.memref_slice %arg4[%add3A_100, %dma_start3A_141] : memref<2560x128xi32, #tpu.memory_space<hbm>> -> memref<2x128xi32, #tpu.memory_space<hbm>>
      tpu.enqueue_dma source(%dma_start3A_142 : memref<2x128xi32, #tpu.memory_space<hbm>>) target(%dma_start3A_140 : memref<2x128xi32, #tpu.memory_space<vmem>>) target_semaphore(%run_scoped3A_131 : memref<!tpu.dma_semaphore, #tpu.memory_space<semaphore_mem>>)
      %dma_wait3A = arith.constant 0 : i32
      %dma_wait3A_143 = arith.constant 0 : i32
      %dma_wait3A_144 = tpu.memref_slice %arg8[%run_scoped3A_101, %dma_wait3A, %dma_wait3A_143] : memref<3x2x128xi32, #tpu.memory_space<vmem>> -> memref<1x2x128xi32, #tpu.memory_space<vmem>>
      %dma_wait3A_145 = tpu.memref_squeeze %dma_wait3A_144 : memref<1x2x128xi32, #tpu.memory_space<vmem>> -> memref<2x128xi32, #tpu.memory_space<vmem>>
      %dma_wait3A_146 = arith.constant 0 : i32
      %dma_wait3A_147 = tpu.memref_slice %arg4[%add3A_100, %dma_wait3A_146] : memref<2560x128xi32, #tpu.memory_space<hbm>> -> memref<2x128xi32, #tpu.memory_space<hbm>>
      %dma_wait3A_148 = arith.constant 0 : i32
      %dma_wait3A_149 = arith.constant 0 : i32
      %dma_wait3A_150 = tpu.memref_slice %arg8[%run_scoped3A_101, %dma_wait3A_148, %dma_wait3A_149] : memref<3x2x128xi32, #tpu.memory_space<vmem>> -> memref<1x2x128xi32, #tpu.memory_space<vmem>>
      %dma_wait3A_151 = tpu.memref_squeeze %dma_wait3A_150 : memref<1x2x128xi32, #tpu.memory_space<vmem>> -> memref<2x128xi32, #tpu.memory_space<vmem>>
      %dma_wait3A_152 = arith.constant 0 : i32
      %dma_wait3A_153 = tpu.memref_slice %arg4[%add3A_100, %dma_wait3A_152] : memref<2560x128xi32, #tpu.memory_space<hbm>> -> memref<2x128xi32, #tpu.memory_space<hbm>>
      tpu.wait_dma2 semaphore(%run_scoped3A_131 : memref<!tpu.dma_semaphore, #tpu.memory_space<semaphore_mem>>) src(%dma_wait3A_153 : memref<2x128xi32, #tpu.memory_space<hbm>>) dst(%dma_wait3A_151 : memref<2x128xi32, #tpu.memory_space<vmem>>)
      tpu.yield
    }) : () -> ()
    %add3A_102 = arith.constant 2 : i32
    %add3A_103 = arith.addi %mul3A_2, %add3A_102 : i32
    %run_scoped3A_104 = arith.constant 1 : i32
    "tpu.region"() ({
      %run_scoped3A_131 = tpu.sem_alloc : memref<!tpu.dma_semaphore, #tpu.memory_space<semaphore_mem>>
      %dma_start3A = arith.constant 0 : i32
      %dma_start3A_132 = arith.constant 0 : i32
      %dma_start3A_133 = tpu.memref_slice %arg9[%run_scoped3A_104, %dma_start3A, %dma_start3A_132] : memref<3x2x128xi32, #tpu.memory_space<vmem>> -> memref<1x2x128xi32, #tpu.memory_space<vmem>>
      %dma_start3A_134 = tpu.memref_squeeze %dma_start3A_133 : memref<1x2x128xi32, #tpu.memory_space<vmem>> -> memref<2x128xi32, #tpu.memory_space<vmem>>
      %dma_start3A_135 = arith.constant 0 : i32
      %dma_start3A_136 = tpu.memref_slice %arg5[%add3A_103, %dma_start3A_135] : memref<2560x128xi32, #tpu.memory_space<hbm>> -> memref<2x128xi32, #tpu.memory_space<hbm>>
      %dma_start3A_137 = arith.constant 0 : i32
      %dma_start3A_138 = arith.constant 0 : i32
      %dma_start3A_139 = tpu.memref_slice %arg9[%run_scoped3A_104, %dma_start3A_137, %dma_start3A_138] : memref<3x2x128xi32, #tpu.memory_space<vmem>> -> memref<1x2x128xi32, #tpu.memory_space<vmem>>
      %dma_start3A_140 = tpu.memref_squeeze %dma_start3A_139 : memref<1x2x128xi32, #tpu.memory_space<vmem>> -> memref<2x128xi32, #tpu.memory_space<vmem>>
      %dma_start3A_141 = arith.constant 0 : i32
      %dma_start3A_142 = tpu.memref_slice %arg5[%add3A_103, %dma_start3A_141] : memref<2560x128xi32, #tpu.memory_space<hbm>> -> memref<2x128xi32, #tpu.memory_space<hbm>>
      tpu.enqueue_dma source(%dma_start3A_142 : memref<2x128xi32, #tpu.memory_space<hbm>>) target(%dma_start3A_140 : memref<2x128xi32, #tpu.memory_space<vmem>>) target_semaphore(%run_scoped3A_131 : memref<!tpu.dma_semaphore, #tpu.memory_space<semaphore_mem>>)
      %dma_wait3A = arith.constant 0 : i32
      %dma_wait3A_143 = arith.constant 0 : i32
      %dma_wait3A_144 = tpu.memref_slice %arg9[%run_scoped3A_104, %dma_wait3A, %dma_wait3A_143] : memref<3x2x128xi32, #tpu.memory_space<vmem>> -> memref<1x2x128xi32, #tpu.memory_space<vmem>>
      %dma_wait3A_145 = tpu.memref_squeeze %dma_wait3A_144 : memref<1x2x128xi32, #tpu.memory_space<vmem>> -> memref<2x128xi32, #tpu.memory_space<vmem>>
      %dma_wait3A_146 = arith.constant 0 : i32
      %dma_wait3A_147 = tpu.memref_slice %arg5[%add3A_103, %dma_wait3A_146] : memref<2560x128xi32, #tpu.memory_space<hbm>> -> memref<2x128xi32, #tpu.memory_space<hbm>>
      %dma_wait3A_148 = arith.constant 0 : i32
      %dma_wait3A_149 = arith.constant 0 : i32
      %dma_wait3A_150 = tpu.memref_slice %arg9[%run_scoped3A_104, %dma_wait3A_148, %dma_wait3A_149] : memref<3x2x128xi32, #tpu.memory_space<vmem>> -> memref<1x2x128xi32, #tpu.memory_space<vmem>>
      %dma_wait3A_151 = tpu.memref_squeeze %dma_wait3A_150 : memref<1x2x128xi32, #tpu.memory_space<vmem>> -> memref<2x128xi32, #tpu.memory_space<vmem>>
      %dma_wait3A_152 = arith.constant 0 : i32
      %dma_wait3A_153 = tpu.memref_slice %arg5[%add3A_103, %dma_wait3A_152] : memref<2560x128xi32, #tpu.memory_space<hbm>> -> memref<2x128xi32, #tpu.memory_space<hbm>>
      tpu.wait_dma2 semaphore(%run_scoped3A_131 : memref<!tpu.dma_semaphore, #tpu.memory_space<semaphore_mem>>) src(%dma_wait3A_153 : memref<2x128xi32, #tpu.memory_space<hbm>>) dst(%dma_wait3A_151 : memref<2x128xi32, #tpu.memory_space<vmem>>)
      tpu.yield
    }) : () -> ()
    %rem3A_105 = arith.constant 0 : i32
    %rem3A_106 = arith.constant 3 : i32
    %rem3A_107 = arith.remsi %rem3A_105, %rem3A_106 : i32
    %scan3A_108 = arith.constant 0 : i32
    %scan3A_109 = arith.constant 2 : i32
    %scan3A_110 = arith.addi %scan3A_108, %scan3A_109 : i32
    %scan3A_111 = arith.constant 1 : i32
    scf.for %scan3A_131 = %scan3A_108 to %scan3A_110 step %scan3A_111  : i32 {
      %mul3A_132 = arith.constant 1 : i32
      %mul3A_133 = arith.muli %scan3A_131, %mul3A_132 : i32
      %add3A_134 = arith.constant 0 : i32
      %add3A_135 = arith.addi %add3A_134, %mul3A_133 : i32
      %mul3A_136 = arith.constant 128 : i32
      %mul3A_137 = arith.muli %add3A_135, %mul3A_136 : i32
      %dma_start3A = arith.constant 0 : i32
      %dma_start3A_138 = arith.constant 0 : i32
      %dma_start3A_139 = tpu.memref_slice %arg12[%dma_start3A, %mul3A_137, %dma_start3A_138] : memref<2x256x64xf32, #tpu.memory_space<vmem>> -> memref<1x128x64xf32, #tpu.memory_space<vmem>>
      %dma_start3A_140 = tpu.memref_squeeze %dma_start3A_139 : memref<1x128x64xf32, #tpu.memory_space<vmem>> -> memref<128x64xf32, #tpu.memory_space<vmem>>
      %dma_start3A_141 = arith.constant 0 : i32
      %dma_start3A_142 = tpu.memref_slice %arg8[%rem3A_107, %add3A_135, %dma_start3A_141] : memref<3x2x128xi32, #tpu.memory_space<vmem>> -> memref<1x1x128xi32, #tpu.memory_space<vmem>>
      %dma_start3A_143 = tpu.memref_squeeze %dma_start3A_142 : memref<1x1x128xi32, #tpu.memory_space<vmem>> -> memref<128xi32, #tpu.memory_space<vmem>>
      %dma_start3A_144 = arith.constant 0 : i32
      %dma_start3A_145 = arith.constant 0 : i32
      %dma_start3A_146 = tpu.memref_slice %arg14[%dma_start3A_144, %dma_start3A_145] : memref<10240x64xf32, #tpu.memory_space<vmem_shared>> -> memref<10240x64xf32, #tpu.memory_space<vmem_shared>>
      tpu.enqueue_indirect_dma source(%dma_start3A_146 : memref<10240x64xf32, #tpu.memory_space<vmem_shared>>) target(%dma_start3A_140 : memref<128x64xf32, #tpu.memory_space<vmem>>) offsets(%dma_start3A_143 : memref<128xi32, #tpu.memory_space<vmem>>) semaphore(%arg16 : memref<!tpu.dma_semaphore, #tpu.memory_space<semaphore_mem>>)
    }
    %scan3A_112 = arith.constant 2 : i32
    %scan3A_113 = arith.constant 0 : i32
    %scan3A_114 = arith.constant 80 : i32
    %scan3A_115 = arith.addi %scan3A_113, %scan3A_114 : i32
    %scan3A_116 = arith.constant 1 : i32
    scf.for %scan3A_131 = %scan3A_113 to %scan3A_115 step %scan3A_116  : i32 {
      %mul3A_132 = arith.constant 1 : i32
      %mul3A_133 = arith.muli %scan3A_131, %mul3A_132 : i32
      %add3A_134 = arith.constant 0 : i32
      %add3A_135 = arith.addi %add3A_134, %mul3A_133 : i32
      %rem3A_136 = arith.constant 2 : i32
      %rem3A_137 = arith.remsi %add3A_135, %rem3A_136 : i32
      %scan3A_138 = arith.constant 0 : i32
      %scan3A_139 = arith.constant 2 : i32
      %scan3A_140 = arith.addi %scan3A_138, %scan3A_139 : i32
      %scan3A_141 = arith.constant 1 : i32
      scf.for %scan3A_175 = %scan3A_138 to %scan3A_140 step %scan3A_141  : i32 {
        %mul3A_176 = arith.constant 1 : i32
        %mul3A_177 = arith.muli %scan3A_175, %mul3A_176 : i32
        %add3A_178 = arith.constant 0 : i32
        %add3A_179 = arith.addi %add3A_178, %mul3A_177 : i32
        %dma_wait3A = arith.constant 0 : i32
        %dma_wait3A_180 = arith.constant 0 : i32
        %dma_wait3A_181 = arith.constant 0 : i32
        %dma_wait3A_182 = arith.constant 0 : i32
        %dma_wait3A_183 = arith.constant 0 : i32
        %dma_wait3A_184 = tpu.memref_slice %arg12[%dma_wait3A_181, %dma_wait3A_182, %dma_wait3A_183] : memref<2x256x64xf32, #tpu.memory_space<vmem>> -> memref<1x128x64xf32, #tpu.memory_space<vmem>>
        %dma_wait3A_185 = tpu.memref_squeeze %dma_wait3A_184 : memref<1x128x64xf32, #tpu.memory_space<vmem>> -> memref<128x64xf32, #tpu.memory_space<vmem>>
        %dma_wait3A_186 = arith.constant 0 : i32
        %dma_wait3A_187 = tpu.memref_slice %arg8[%dma_wait3A, %dma_wait3A_180, %dma_wait3A_186] : memref<3x2x128xi32, #tpu.memory_space<vmem>> -> memref<1x1x128xi32, #tpu.memory_space<vmem>>
        %dma_wait3A_188 = tpu.memref_squeeze %dma_wait3A_187 : memref<1x1x128xi32, #tpu.memory_space<vmem>> -> memref<128xi32, #tpu.memory_space<vmem>>
        %dma_wait3A_189 = arith.constant 0 : i32
        %dma_wait3A_190 = arith.constant 0 : i32
        %dma_wait3A_191 = tpu.memref_slice %arg14[%dma_wait3A_189, %dma_wait3A_190] : memref<10240x64xf32, #tpu.memory_space<vmem_shared>> -> memref<10240x64xf32, #tpu.memory_space<vmem_shared>>
        tpu.wait_indirect_dma semaphore(%arg16 : memref<!tpu.dma_semaphore, #tpu.memory_space<semaphore_mem>>) src(%dma_wait3A_191 : memref<10240x64xf32, #tpu.memory_space<vmem_shared>>) dst(%dma_wait3A_185 : memref<128x64xf32, #tpu.memory_space<vmem>>)
      }
      %scan3A_142 = arith.constant 2 : i32
      %gt3A = arith.constant 0 : i32
      %gt3A_143 = arith.cmpi sgt, %add3A_135, %gt3A : i32
      %convert_element_type3A_144 = arith.extui %gt3A_143 : i1 to i32
      %cond3A_145 = arith.constant 0 : i32
      %cond3A_146 = arith.cmpi ne, %convert_element_type3A_144, %cond3A_145 : i32
      scf.if %cond3A_146 {
        %scan3A_175 = arith.constant 0 : i32
        %scan3A_176 = arith.constant 2 : i32
        %scan3A_177 = arith.addi %scan3A_175, %scan3A_176 : i32
        %scan3A_178 = arith.constant 1 : i32
        scf.for %scan3A_180 = %scan3A_175 to %scan3A_177 step %scan3A_178  : i32 {
          %mul3A_181 = arith.constant 1 : i32
          %mul3A_182 = arith.muli %scan3A_180, %mul3A_181 : i32
          %add3A_183 = arith.constant 0 : i32
          %add3A_184 = arith.addi %add3A_183, %mul3A_182 : i32
          %dma_wait3A = arith.constant 0 : i32
          %dma_wait3A_185 = arith.constant 0 : i32
          %dma_wait3A_186 = arith.constant 0 : i32
          %dma_wait3A_187 = arith.constant 0 : i32
          %dma_wait3A_188 = arith.constant 0 : i32
          %dma_wait3A_189 = tpu.memref_slice %arg12[%dma_wait3A, %dma_wait3A_187, %dma_wait3A_188] : memref<2x256x64xf32, #tpu.memory_space<vmem>> -> memref<1x128x64xf32, #tpu.memory_space<vmem>>
          %dma_wait3A_190 = tpu.memref_squeeze %dma_wait3A_189 : memref<1x128x64xf32, #tpu.memory_space<vmem>> -> memref<128x64xf32, #tpu.memory_space<vmem>>
          %dma_wait3A_191 = arith.constant 0 : i32
          %dma_wait3A_192 = tpu.memref_slice %arg9[%dma_wait3A_185, %dma_wait3A_186, %dma_wait3A_191] : memref<3x2x128xi32, #tpu.memory_space<vmem>> -> memref<1x1x128xi32, #tpu.memory_space<vmem>>
          %dma_wait3A_193 = tpu.memref_squeeze %dma_wait3A_192 : memref<1x1x128xi32, #tpu.memory_space<vmem>> -> memref<128xi32, #tpu.memory_space<vmem>>
          %dma_wait3A_194 = arith.constant 0 : i32
          %dma_wait3A_195 = arith.constant 0 : i32
          %dma_wait3A_196 = tpu.memref_slice %arg13[%dma_wait3A_194, %dma_wait3A_195] : memref<10240x64xf32, #tpu.memory_space<vmem_shared>> -> memref<10240x64xf32, #tpu.memory_space<vmem_shared>>
          tpu.wait_indirect_dma semaphore(%arg17 : memref<!tpu.dma_semaphore, #tpu.memory_space<semaphore_mem>>) src(%dma_wait3A_190 : memref<128x64xf32, #tpu.memory_space<vmem>>) dst(%dma_wait3A_196 : memref<10240x64xf32, #tpu.memory_space<vmem_shared>>)
        }
        %scan3A_179 = arith.constant 2 : i32
      } else {
      }
      %ge3A = arith.constant 1 : i32
      %ge3A_147 = arith.cmpi sge, %add3A_135, %ge3A : i32
      %add3A_148 = arith.constant 1 : i32
      %add3A_149 = arith.addi %add3A_135, %add3A_148 : i32
      %lt3A = arith.constant 80 : i32
      %lt3A_150 = arith.cmpi slt, %add3A_149, %lt3A : i32
      %and3A = arith.andi %ge3A_147, %lt3A_150 : i1
      %convert_element_type3A_151 = arith.extui %and3A : i1 to i32
      %cond3A_152 = arith.constant 0 : i32
      %cond3A_153 = arith.cmpi ne, %convert_element_type3A_151, %cond3A_152 : i32
      scf.if %cond3A_153 {
        %dma_wait3A = arith.constant 0 : i32
        %dma_wait3A_175 = arith.constant 0 : i32
        %dma_wait3A_176 = arith.constant 0 : i32
        %dma_wait3A_177 = tpu.memref_slice %arg8[%dma_wait3A, %dma_wait3A_175, %dma_wait3A_176] : memref<3x2x128xi32, #tpu.memory_space<vmem>> -> memref<1x2x128xi32, #tpu.memory_space<vmem>>
        %dma_wait3A_178 = tpu.memref_squeeze %dma_wait3A_177 : memref<1x2x128xi32, #tpu.memory_space<vmem>> -> memref<2x128xi32, #tpu.memory_space<vmem>>
        %dma_wait3A_179 = arith.constant 0 : i32
        %dma_wait3A_180 = tpu.memref_slice %arg4[%mul3A_2, %dma_wait3A_179] : memref<2560x128xi32, #tpu.memory_space<hbm>> -> memref<2x128xi32, #tpu.memory_space<hbm>>
        %dma_wait3A_181 = arith.constant 0 : i32
        %dma_wait3A_182 = arith.constant 0 : i32
        %dma_wait3A_183 = tpu.memref_slice %arg8[%dma_wait3A, %dma_wait3A_181, %dma_wait3A_182] : memref<3x2x128xi32, #tpu.memory_space<vmem>> -> memref<1x2x128xi32, #tpu.memory_space<vmem>>
        %dma_wait3A_184 = tpu.memref_squeeze %dma_wait3A_183 : memref<1x2x128xi32, #tpu.memory_space<vmem>> -> memref<2x128xi32, #tpu.memory_space<vmem>>
        %dma_wait3A_185 = arith.constant 0 : i32
        %dma_wait3A_186 = tpu.memref_slice %arg4[%mul3A_2, %dma_wait3A_185] : memref<2560x128xi32, #tpu.memory_space<hbm>> -> memref<2x128xi32, #tpu.memory_space<hbm>>
        tpu.wait_dma2 semaphore(%arg19 : memref<!tpu.dma_semaphore, #tpu.memory_space<semaphore_mem>>) src(%dma_wait3A_186 : memref<2x128xi32, #tpu.memory_space<hbm>>) dst(%dma_wait3A_184 : memref<2x128xi32, #tpu.memory_space<vmem>>)
        %dma_wait3A_187 = arith.constant 0 : i32
        %dma_wait3A_188 = arith.constant 0 : i32
        %dma_wait3A_189 = arith.constant 0 : i32
        %dma_wait3A_190 = tpu.memref_slice %arg9[%dma_wait3A_187, %dma_wait3A_188, %dma_wait3A_189] : memref<3x2x128xi32, #tpu.memory_space<vmem>> -> memref<1x2x128xi32, #tpu.memory_space<vmem>>
        %dma_wait3A_191 = tpu.memref_squeeze %dma_wait3A_190 : memref<1x2x128xi32, #tpu.memory_space<vmem>> -> memref<2x128xi32, #tpu.memory_space<vmem>>
        %dma_wait3A_192 = arith.constant 0 : i32
        %dma_wait3A_193 = tpu.memref_slice %arg5[%mul3A_2, %dma_wait3A_192] : memref<2560x128xi32, #tpu.memory_space<hbm>> -> memref<2x128xi32, #tpu.memory_space<hbm>>
        %dma_wait3A_194 = arith.constant 0 : i32
        %dma_wait3A_195 = arith.constant 0 : i32
        %dma_wait3A_196 = tpu.memref_slice %arg9[%dma_wait3A_187, %dma_wait3A_194, %dma_wait3A_195] : memref<3x2x128xi32, #tpu.memory_space<vmem>> -> memref<1x2x128xi32, #tpu.memory_space<vmem>>
        %dma_wait3A_197 = tpu.memref_squeeze %dma_wait3A_196 : memref<1x2x128xi32, #tpu.memory_space<vmem>> -> memref<2x128xi32, #tpu.memory_space<vmem>>
        %dma_wait3A_198 = arith.constant 0 : i32
        %dma_wait3A_199 = tpu.memref_slice %arg5[%mul3A_2, %dma_wait3A_198] : memref<2560x128xi32, #tpu.memory_space<hbm>> -> memref<2x128xi32, #tpu.memory_space<hbm>>
        tpu.wait_dma2 semaphore(%arg19 : memref<!tpu.dma_semaphore, #tpu.memory_space<semaphore_mem>>) src(%dma_wait3A_199 : memref<2x128xi32, #tpu.memory_space<hbm>>) dst(%dma_wait3A_197 : memref<2x128xi32, #tpu.memory_space<vmem>>)
      } else {
      }
      %add3A_154 = arith.constant 2 : i32
      %add3A_155 = arith.addi %add3A_135, %add3A_154 : i32
      %lt3A_156 = arith.constant 80 : i32
      %lt3A_157 = arith.cmpi slt, %add3A_155, %lt3A_156 : i32
      %convert_element_type3A_158 = arith.extui %lt3A_157 : i1 to i32
      %cond3A_159 = arith.constant 0 : i32
      %cond3A_160 = arith.cmpi ne, %convert_element_type3A_158, %cond3A_159 : i32
      scf.if %cond3A_160 {
        %add3A_175 = arith.constant 2 : i32
        %add3A_176 = arith.addi %add3A_135, %add3A_175 : i32
        %rem3A_177 = arith.constant 3 : i32
        %rem3A_178 = arith.remsi %add3A_176, %rem3A_177 : i32
        %add3A_179 = arith.constant 2 : i32
        %add3A_180 = arith.addi %add3A_135, %add3A_179 : i32
        %mul3A_181 = arith.constant 2 : i32
        %mul3A_182 = arith.muli %add3A_180, %mul3A_181 : i32
        %add3A_183 = arith.addi %mul3A_2, %mul3A_182 : i32
        %dma_start3A = arith.constant 0 : i32
        %dma_start3A_184 = arith.constant 0 : i32
        %dma_start3A_185 = tpu.memref_slice %arg8[%rem3A_178, %dma_start3A, %dma_start3A_184] : memref<3x2x128xi32, #tpu.memory_space<vmem>> -> memref<1x2x128xi32, #tpu.memory_space<vmem>>
        %dma_start3A_186 = tpu.memref_squeeze %dma_start3A_185 : memref<1x2x128xi32, #tpu.memory_space<vmem>> -> memref<2x128xi32, #tpu.memory_space<vmem>>
        %dma_start3A_187 = arith.constant 0 : i32
        %dma_start3A_188 = tpu.memref_slice %arg4[%add3A_183, %dma_start3A_187] : memref<2560x128xi32, #tpu.memory_space<hbm>> -> memref<2x128xi32, #tpu.memory_space<hbm>>
        %dma_start3A_189 = arith.constant 0 : i32
        %dma_start3A_190 = arith.constant 0 : i32
        %dma_start3A_191 = tpu.memref_slice %arg8[%rem3A_178, %dma_start3A_189, %dma_start3A_190] : memref<3x2x128xi32, #tpu.memory_space<vmem>> -> memref<1x2x128xi32, #tpu.memory_space<vmem>>
        %dma_start3A_192 = tpu.memref_squeeze %dma_start3A_191 : memref<1x2x128xi32, #tpu.memory_space<vmem>> -> memref<2x128xi32, #tpu.memory_space<vmem>>
        %dma_start3A_193 = arith.constant 0 : i32
        %dma_start3A_194 = tpu.memref_slice %arg4[%add3A_183, %dma_start3A_193] : memref<2560x128xi32, #tpu.memory_space<hbm>> -> memref<2x128xi32, #tpu.memory_space<hbm>>
        tpu.enqueue_dma source(%dma_start3A_194 : memref<2x128xi32, #tpu.memory_space<hbm>>) target(%dma_start3A_192 : memref<2x128xi32, #tpu.memory_space<vmem>>) target_semaphore(%arg19 : memref<!tpu.dma_semaphore, #tpu.memory_space<semaphore_mem>>)
        %add3A_195 = arith.constant 2 : i32
        %add3A_196 = arith.addi %add3A_135, %add3A_195 : i32
        %mul3A_197 = arith.constant 2 : i32
        %mul3A_198 = arith.muli %add3A_196, %mul3A_197 : i32
        %add3A_199 = arith.addi %mul3A_2, %mul3A_198 : i32
        %dma_start3A_200 = arith.constant 0 : i32
        %dma_start3A_201 = arith.constant 0 : i32
        %dma_start3A_202 = tpu.memref_slice %arg9[%rem3A_178, %dma_start3A_200, %dma_start3A_201] : memref<3x2x128xi32, #tpu.memory_space<vmem>> -> memref<1x2x128xi32, #tpu.memory_space<vmem>>
        %dma_start3A_203 = tpu.memref_squeeze %dma_start3A_202 : memref<1x2x128xi32, #tpu.memory_space<vmem>> -> memref<2x128xi32, #tpu.memory_space<vmem>>
        %dma_start3A_204 = arith.constant 0 : i32
        %dma_start3A_205 = tpu.memref_slice %arg5[%add3A_199, %dma_start3A_204] : memref<2560x128xi32, #tpu.memory_space<hbm>> -> memref<2x128xi32, #tpu.memory_space<hbm>>
        %dma_start3A_206 = arith.constant 0 : i32
        %dma_start3A_207 = arith.constant 0 : i32
        %dma_start3A_208 = tpu.memref_slice %arg9[%rem3A_178, %dma_start3A_206, %dma_start3A_207] : memref<3x2x128xi32, #tpu.memory_space<vmem>> -> memref<1x2x128xi32, #tpu.memory_space<vmem>>
        %dma_start3A_209 = tpu.memref_squeeze %dma_start3A_208 : memref<1x2x128xi32, #tpu.memory_space<vmem>> -> memref<2x128xi32, #tpu.memory_space<vmem>>
        %dma_start3A_210 = arith.constant 0 : i32
        %dma_start3A_211 = tpu.memref_slice %arg5[%add3A_199, %dma_start3A_210] : memref<2560x128xi32, #tpu.memory_space<hbm>> -> memref<2x128xi32, #tpu.memory_space<hbm>>
        tpu.enqueue_dma source(%dma_start3A_211 : memref<2x128xi32, #tpu.memory_space<hbm>>) target(%dma_start3A_209 : memref<2x128xi32, #tpu.memory_space<vmem>>) target_semaphore(%arg19 : memref<!tpu.dma_semaphore, #tpu.memory_space<semaphore_mem>>)
      } else {
      }
      %add3A_161 = arith.constant 1 : i32
      %add3A_162 = arith.addi %add3A_135, %add3A_161 : i32
      %lt3A_163 = arith.constant 80 : i32
      %lt3A_164 = arith.cmpi slt, %add3A_162, %lt3A_163 : i32
      %convert_element_type3A_165 = arith.extui %lt3A_164 : i1 to i32
      %cond3A_166 = arith.constant 0 : i32
      %cond3A_167 = arith.cmpi ne, %convert_element_type3A_165, %cond3A_166 : i32
      scf.if %cond3A_167 {
        %add3A_175 = arith.constant 1 : i32
        %add3A_176 = arith.addi %add3A_135, %add3A_175 : i32
        %sub3A = arith.constant 1 : i32
        %sub3A_177 = arith.subi %sub3A, %rem3A_137 : i32
        %rem3A_178 = arith.constant 3 : i32
        %rem3A_179 = arith.remsi %add3A_176, %rem3A_178 : i32
        %scan3A_180 = arith.constant 0 : i32
        %scan3A_181 = arith.constant 2 : i32
        %scan3A_182 = arith.addi %scan3A_180, %scan3A_181 : i32
        %scan3A_183 = arith.constant 1 : i32
        scf.for %scan3A_185 = %scan3A_180 to %scan3A_182 step %scan3A_183  : i32 {
          %mul3A_186 = arith.constant 1 : i32
          %mul3A_187 = arith.muli %scan3A_185, %mul3A_186 : i32
          %add3A_188 = arith.constant 0 : i32
          %add3A_189 = arith.addi %add3A_188, %mul3A_187 : i32
          %mul3A_190 = arith.constant 128 : i32
          %mul3A_191 = arith.muli %add3A_189, %mul3A_190 : i32
          %dma_start3A = arith.constant 0 : i32
          %dma_start3A_192 = tpu.memref_slice %arg12[%sub3A_177, %mul3A_191, %dma_start3A] : memref<2x256x64xf32, #tpu.memory_space<vmem>> -> memref<1x128x64xf32, #tpu.memory_space<vmem>>
          %dma_start3A_193 = tpu.memref_squeeze %dma_start3A_192 : memref<1x128x64xf32, #tpu.memory_space<vmem>> -> memref<128x64xf32, #tpu.memory_space<vmem>>
          %dma_start3A_194 = arith.constant 0 : i32
          %dma_start3A_195 = tpu.memref_slice %arg8[%rem3A_179, %add3A_189, %dma_start3A_194] : memref<3x2x128xi32, #tpu.memory_space<vmem>> -> memref<1x1x128xi32, #tpu.memory_space<vmem>>
          %dma_start3A_196 = tpu.memref_squeeze %dma_start3A_195 : memref<1x1x128xi32, #tpu.memory_space<vmem>> -> memref<128xi32, #tpu.memory_space<vmem>>
          %dma_start3A_197 = arith.constant 0 : i32
          %dma_start3A_198 = arith.constant 0 : i32
          %dma_start3A_199 = tpu.memref_slice %arg14[%dma_start3A_197, %dma_start3A_198] : memref<10240x64xf32, #tpu.memory_space<vmem_shared>> -> memref<10240x64xf32, #tpu.memory_space<vmem_shared>>
          tpu.enqueue_indirect_dma source(%dma_start3A_199 : memref<10240x64xf32, #tpu.memory_space<vmem_shared>>) target(%dma_start3A_193 : memref<128x64xf32, #tpu.memory_space<vmem>>) offsets(%dma_start3A_196 : memref<128xi32, #tpu.memory_space<vmem>>) semaphore(%arg16 : memref<!tpu.dma_semaphore, #tpu.memory_space<semaphore_mem>>)
        }
        %scan3A_184 = arith.constant 2 : i32
      } else {
      }
      %rem3A_168 = arith.constant 3 : i32
      %rem3A_169 = arith.remsi %add3A_135, %rem3A_168 : i32
      %scan3A_170 = arith.constant 0 : i32
      %scan3A_171 = arith.constant 2 : i32
      %scan3A_172 = arith.addi %scan3A_170, %scan3A_171 : i32
      %scan3A_173 = arith.constant 1 : i32
      scf.for %scan3A_175 = %scan3A_170 to %scan3A_172 step %scan3A_173  : i32 {
        %mul3A_176 = arith.constant 1 : i32
        %mul3A_177 = arith.muli %scan3A_175, %mul3A_176 : i32
        %add3A_178 = arith.constant 0 : i32
        %add3A_179 = arith.addi %add3A_178, %mul3A_177 : i32
        %mul3A_180 = arith.constant 128 : i32
        %mul3A_181 = arith.muli %add3A_179, %mul3A_180 : i32
        %dma_start3A = arith.constant 0 : i32
        %dma_start3A_182 = tpu.memref_slice %arg12[%rem3A_137, %mul3A_181, %dma_start3A] : memref<2x256x64xf32, #tpu.memory_space<vmem>> -> memref<1x128x64xf32, #tpu.memory_space<vmem>>
        %dma_start3A_183 = tpu.memref_squeeze %dma_start3A_182 : memref<1x128x64xf32, #tpu.memory_space<vmem>> -> memref<128x64xf32, #tpu.memory_space<vmem>>
        %dma_start3A_184 = arith.constant 0 : i32
        %dma_start3A_185 = tpu.memref_slice %arg9[%rem3A_169, %add3A_179, %dma_start3A_184] : memref<3x2x128xi32, #tpu.memory_space<vmem>> -> memref<1x1x128xi32, #tpu.memory_space<vmem>>
        %dma_start3A_186 = tpu.memref_squeeze %dma_start3A_185 : memref<1x1x128xi32, #tpu.memory_space<vmem>> -> memref<128xi32, #tpu.memory_space<vmem>>
        %dma_start3A_187 = arith.constant 0 : i32
        %dma_start3A_188 = arith.constant 0 : i32
        %dma_start3A_189 = tpu.memref_slice %arg13[%dma_start3A_187, %dma_start3A_188] : memref<10240x64xf32, #tpu.memory_space<vmem_shared>> -> memref<10240x64xf32, #tpu.memory_space<vmem_shared>>
        tpu.enqueue_indirect_dma source(%dma_start3A_183 : memref<128x64xf32, #tpu.memory_space<vmem>>) target(%dma_start3A_189 : memref<10240x64xf32, #tpu.memory_space<vmem_shared>>) offsets(%dma_start3A_186 : memref<128xi32, #tpu.memory_space<vmem>>) semaphore(%arg17 : memref<!tpu.dma_semaphore, #tpu.memory_space<semaphore_mem>>) {add = true}
      }
      %scan3A_174 = arith.constant 2 : i32
    }
    %scan3A_117 = arith.constant 80 : i32
    %scan3A_118 = arith.constant 0 : i32
    %scan3A_119 = arith.constant 2 : i32
    %scan3A_120 = arith.addi %scan3A_118, %scan3A_119 : i32
    %scan3A_121 = arith.constant 1 : i32
    scf.for %scan3A_131 = %scan3A_118 to %scan3A_120 step %scan3A_121  : i32 {
      %mul3A_132 = arith.constant 1 : i32
      %mul3A_133 = arith.muli %scan3A_131, %mul3A_132 : i32
      %add3A_134 = arith.constant 0 : i32
      %add3A_135 = arith.addi %add3A_134, %mul3A_133 : i32
      %dma_wait3A = arith.constant 0 : i32
      %dma_wait3A_136 = arith.constant 0 : i32
      %dma_wait3A_137 = arith.constant 0 : i32
      %dma_wait3A_138 = arith.constant 0 : i32
      %dma_wait3A_139 = arith.constant 0 : i32
      %dma_wait3A_140 = tpu.memref_slice %arg12[%dma_wait3A, %dma_wait3A_138, %dma_wait3A_139] : memref<2x256x64xf32, #tpu.memory_space<vmem>> -> memref<1x128x64xf32, #tpu.memory_space<vmem>>
      %dma_wait3A_141 = tpu.memref_squeeze %dma_wait3A_140 : memref<1x128x64xf32, #tpu.memory_space<vmem>> -> memref<128x64xf32, #tpu.memory_space<vmem>>
      %dma_wait3A_142 = arith.constant 0 : i32
      %dma_wait3A_143 = tpu.memref_slice %arg9[%dma_wait3A_136, %dma_wait3A_137, %dma_wait3A_142] : memref<3x2x128xi32, #tpu.memory_space<vmem>> -> memref<1x1x128xi32, #tpu.memory_space<vmem>>
      %dma_wait3A_144 = tpu.memref_squeeze %dma_wait3A_143 : memref<1x1x128xi32, #tpu.memory_space<vmem>> -> memref<128xi32, #tpu.memory_space<vmem>>
      %dma_wait3A_145 = arith.constant 0 : i32
      %dma_wait3A_146 = arith.constant 0 : i32
      %dma_wait3A_147 = tpu.memref_slice %arg13[%dma_wait3A_145, %dma_wait3A_146] : memref<10240x64xf32, #tpu.memory_space<vmem_shared>> -> memref<10240x64xf32, #tpu.memory_space<vmem_shared>>
      tpu.wait_indirect_dma semaphore(%arg17 : memref<!tpu.dma_semaphore, #tpu.memory_space<semaphore_mem>>) src(%dma_wait3A_141 : memref<128x64xf32, #tpu.memory_space<vmem>>) dst(%dma_wait3A_147 : memref<10240x64xf32, #tpu.memory_space<vmem_shared>>)
    }
    %scan3A_122 = arith.constant 2 : i32
    %barrier3A_123 = arith.constant 0 : index
    tpu.barrier barrier_id(%barrier3A_123)
    %scan3A_124 = arith.constant 0 : i32
    %scan3A_125 = arith.constant 0 : i32
    %scan3A_126 = arith.constant 0 : i32
    %scan3A_127 = arith.constant 5 : i32
    %scan3A_128 = arith.addi %scan3A_126, %scan3A_127 : i32
    %scan3A_129 = arith.constant 1 : i32
    scf.for %scan3A_131 = %scan3A_126 to %scan3A_128 step %scan3A_129  : i32 {
      %mul3A_132 = arith.constant 1 : i32
      %mul3A_133 = arith.muli %scan3A_131, %mul3A_132 : i32
      %add3A_134 = arith.constant 0 : i32
      %add3A_135 = arith.addi %add3A_134, %mul3A_133 : i32
      %mul3A_136 = arith.constant 128 : i32
      %mul3A_137 = arith.muli %add3A_135, %mul3A_136 : i32
      %add3A_138 = arith.addi %mul3A_0, %mul3A_137 : i32
      "tpu.region"() ({
        %run_scoped3A_154 = tpu.sem_alloc : memref<!tpu.dma_semaphore, #tpu.memory_space<semaphore_mem>>
        %dma_start3A = arith.constant 0 : i32
        %dma_start3A_155 = tpu.memref_slice %arg15[%add3A_138, %dma_start3A] : memref<10240x16xf32, #tpu.memory_space<vmem_shared>> -> memref<128x16xf32, #tpu.memory_space<vmem_shared>>
        %dma_start3A_156 = arith.constant 0 : i32
        %dma_start3A_157 = tpu.memref_slice %arg15[%add3A_138, %dma_start3A_156] : memref<10240x16xf32, #tpu.memory_space<vmem_shared>> -> memref<128x16xf32, #tpu.memory_space<vmem_shared>>
        tpu.enqueue_dma source(%dma_start3A_157 : memref<128x16xf32, #tpu.memory_space<vmem_shared>>) target(%arg10 : memref<128x16xf32, #tpu.memory_space<vmem>>) target_semaphore(%run_scoped3A_154 : memref<!tpu.dma_semaphore, #tpu.memory_space<semaphore_mem>>)
        %dma_wait3A = arith.constant 0 : i32
        %dma_wait3A_158 = tpu.memref_slice %arg15[%add3A_138, %dma_wait3A] : memref<10240x16xf32, #tpu.memory_space<vmem_shared>> -> memref<128x16xf32, #tpu.memory_space<vmem_shared>>
        %dma_wait3A_159 = arith.constant 0 : i32
        %dma_wait3A_160 = tpu.memref_slice %arg15[%add3A_138, %dma_wait3A_159] : memref<10240x16xf32, #tpu.memory_space<vmem_shared>> -> memref<128x16xf32, #tpu.memory_space<vmem_shared>>
        tpu.wait_dma2 semaphore(%run_scoped3A_154 : memref<!tpu.dma_semaphore, #tpu.memory_space<semaphore_mem>>) src(%dma_wait3A_160 : memref<128x16xf32, #tpu.memory_space<vmem_shared>>) dst(%arg10 : memref<128x16xf32, #tpu.memory_space<vmem>>)
        tpu.yield
      }) : () -> ()
      "tpu.region"() ({
        %run_scoped3A_154 = tpu.sem_alloc : memref<!tpu.dma_semaphore, #tpu.memory_space<semaphore_mem>>
        %dma_start3A = arith.constant 0 : i32
        %dma_start3A_155 = arith.constant 0 : i32
        %dma_start3A_156 = tpu.memref_slice %arg12[%scan3A_124, %dma_start3A, %dma_start3A_155] : memref<2x256x64xf32, #tpu.memory_space<vmem>> -> memref<1x128x64xf32, #tpu.memory_space<vmem>>
        %dma_start3A_157 = tpu.memref_squeeze %dma_start3A_156 : memref<1x128x64xf32, #tpu.memory_space<vmem>> -> memref<128x64xf32, #tpu.memory_space<vmem>>
        %dma_start3A_158 = arith.constant 0 : i32
        %dma_start3A_159 = tpu.memref_slice %arg13[%add3A_138, %dma_start3A_158] : memref<10240x64xf32, #tpu.memory_space<vmem_shared>> -> memref<128x64xf32, #tpu.memory_space<vmem_shared>>
        %dma_start3A_160 = arith.constant 0 : i32
        %dma_start3A_161 = arith.constant 0 : i32
        %dma_start3A_162 = tpu.memref_slice %arg12[%scan3A_124, %dma_start3A_160, %dma_start3A_161] : memref<2x256x64xf32, #tpu.memory_space<vmem>> -> memref<1x128x64xf32, #tpu.memory_space<vmem>>
        %dma_start3A_163 = tpu.memref_squeeze %dma_start3A_162 : memref<1x128x64xf32, #tpu.memory_space<vmem>> -> memref<128x64xf32, #tpu.memory_space<vmem>>
        %dma_start3A_164 = arith.constant 0 : i32
        %dma_start3A_165 = tpu.memref_slice %arg13[%add3A_138, %dma_start3A_164] : memref<10240x64xf32, #tpu.memory_space<vmem_shared>> -> memref<128x64xf32, #tpu.memory_space<vmem_shared>>
        tpu.enqueue_dma source(%dma_start3A_165 : memref<128x64xf32, #tpu.memory_space<vmem_shared>>) target(%dma_start3A_163 : memref<128x64xf32, #tpu.memory_space<vmem>>) target_semaphore(%run_scoped3A_154 : memref<!tpu.dma_semaphore, #tpu.memory_space<semaphore_mem>>)
        %dma_wait3A = arith.constant 0 : i32
        %dma_wait3A_166 = arith.constant 0 : i32
        %dma_wait3A_167 = tpu.memref_slice %arg12[%scan3A_124, %dma_wait3A, %dma_wait3A_166] : memref<2x256x64xf32, #tpu.memory_space<vmem>> -> memref<1x128x64xf32, #tpu.memory_space<vmem>>
        %dma_wait3A_168 = tpu.memref_squeeze %dma_wait3A_167 : memref<1x128x64xf32, #tpu.memory_space<vmem>> -> memref<128x64xf32, #tpu.memory_space<vmem>>
        %dma_wait3A_169 = arith.constant 0 : i32
        %dma_wait3A_170 = tpu.memref_slice %arg13[%add3A_138, %dma_wait3A_169] : memref<10240x64xf32, #tpu.memory_space<vmem_shared>> -> memref<128x64xf32, #tpu.memory_space<vmem_shared>>
        %dma_wait3A_171 = arith.constant 0 : i32
        %dma_wait3A_172 = arith.constant 0 : i32
        %dma_wait3A_173 = tpu.memref_slice %arg12[%scan3A_124, %dma_wait3A_171, %dma_wait3A_172] : memref<2x256x64xf32, #tpu.memory_space<vmem>> -> memref<1x128x64xf32, #tpu.memory_space<vmem>>
        %dma_wait3A_174 = tpu.memref_squeeze %dma_wait3A_173 : memref<1x128x64xf32, #tpu.memory_space<vmem>> -> memref<128x64xf32, #tpu.memory_space<vmem>>
        %dma_wait3A_175 = arith.constant 0 : i32
        %dma_wait3A_176 = tpu.memref_slice %arg13[%add3A_138, %dma_wait3A_175] : memref<10240x64xf32, #tpu.memory_space<vmem_shared>> -> memref<128x64xf32, #tpu.memory_space<vmem_shared>>
        tpu.wait_dma2 semaphore(%run_scoped3A_154 : memref<!tpu.dma_semaphore, #tpu.memory_space<semaphore_mem>>) src(%dma_wait3A_176 : memref<128x64xf32, #tpu.memory_space<vmem_shared>>) dst(%dma_wait3A_174 : memref<128x64xf32, #tpu.memory_space<vmem>>)
        tpu.yield
      }) : () -> ()
      %scan3A_139 = arith.constant 0 : i32
      %scan3A_140 = arith.constant 128 : i32
      %scan3A_141 = arith.addi %scan3A_139, %scan3A_140 : i32
      %scan3A_142 = arith.constant 1 : i32
      scf.for %scan3A_154 = %scan3A_139 to %scan3A_141 step %scan3A_142  : i32 {
        %mul3A_155 = arith.constant 1 : i32
        %mul3A_156 = arith.muli %scan3A_154, %mul3A_155 : i32
        %add3A_157 = arith.constant 0 : i32
        %add3A_158 = arith.addi %add3A_157, %mul3A_156 : i32
        %get3A = arith.index_cast %add3A_158 : i32 to index
        %get3A_159 = arith.constant 0 : index
        %get3A_160 = tpu.vector_load %arg10[%get3A, %get3A_159] {strides = array<i32>} : memref<128x16xf32, #tpu.memory_space<vmem>>, vector<1x16xf32>,
        %get3A_161 = vector.shape_cast %get3A_160 : vector<1x16xf32> to vector<16xf32>
        %scan3A_162 = arith.constant 0 : i32
        %scan3A_163 = arith.constant 4 : i32
        %scan3A_164 = arith.addi %scan3A_162, %scan3A_163 : i32
        %scan3A_165 = arith.constant 1 : i32
        scf.for %scan3A_167 = %scan3A_162 to %scan3A_164 step %scan3A_165  : i32 {
          %mul3A_168 = arith.constant 1 : i32
          %mul3A_169 = arith.muli %scan3A_167, %mul3A_168 : i32
          %add3A_170 = arith.constant 0 : i32
          %add3A_171 = arith.addi %add3A_170, %mul3A_169 : i32
          %mul3A_172 = arith.constant 16 : i32
          %mul3A_173 = arith.muli %add3A_171, %mul3A_172 : i32
          %get3A_174 = arith.constant 0 : i32
          %get3A_175 = arith.constant 0 : i32
          %get3A_176 = tpu.memref_slice %arg12[%scan3A_125, %get3A_174, %get3A_175] : memref<2x256x64xf32, #tpu.memory_space<vmem>> -> memref<1x256x64xf32, #tpu.memory_space<vmem>>
          %get3A_177 = tpu.memref_squeeze %get3A_176 : memref<1x256x64xf32, #tpu.memory_space<vmem>> -> memref<256x64xf32, #tpu.memory_space<vmem>>
          %get3A_178 = arith.index_cast %add3A_158 : i32 to index
          %get3A_179 = arith.index_cast %mul3A_173 : i32 to index
          %get3A_180 = tpu.vector_load %get3A_177[%get3A_178, %get3A_179] {strides = array<i32>} : memref<256x64xf32, #tpu.memory_space<vmem>>, vector<1x16xf32>,
          %get3A_181 = vector.shape_cast %get3A_180 : vector<1x16xf32> to vector<16xf32>
          %mul3A_182 = arith.mulf %get3A_181, %get3A_161 : vector<16xf32>
          %swap3A = arith.constant 0 : i32
          %swap3A_183 = arith.constant 0 : i32
          %swap3A_184 = tpu.memref_slice %arg12[%scan3A_125, %swap3A, %swap3A_183] : memref<2x256x64xf32, #tpu.memory_space<vmem>> -> memref<1x256x64xf32, #tpu.memory_space<vmem>>
          %swap3A_185 = tpu.memref_squeeze %swap3A_184 : memref<1x256x64xf32, #tpu.memory_space<vmem>> -> memref<256x64xf32, #tpu.memory_space<vmem>>
          %swap3A_186 = arith.index_cast %add3A_158 : i32 to index
          %swap3A_187 = arith.index_cast %mul3A_173 : i32 to index
          %swap3A_188 = tpu.vector_load %swap3A_185[%swap3A_186, %swap3A_187] {strides = array<i32>} : memref<256x64xf32, #tpu.memory_space<vmem>>, vector<1x16xf32>,
          %swap3A_189 = vector.shape_cast %swap3A_188 : vector<1x16xf32> to vector<16xf32>
          %swap3A_190 = vector.shape_cast %mul3A_182 : vector<16xf32> to vector<1x16xf32>
          tpu.vector_store %swap3A_185[%swap3A_186, %swap3A_187], %swap3A_190 {strides = array<i32>} : memref<256x64xf32, #tpu.memory_space<vmem>>, vector<1x16xf32>,
        }
        %scan3A_166 = arith.constant 4 : i32
      }
      %scan3A_143 = arith.constant 128 : i32
      %eq3A_144 = arith.constant 0 : i32
      %eq3A_145 = arith.cmpi eq, %arg0, %eq3A_144 : i32
      %convert_element_type3A_146 = arith.extui %eq3A_145 : i1 to i32
      %cond3A_147 = arith.constant 0 : i32
      %cond3A_148 = arith.cmpi ne, %convert_element_type3A_146, %cond3A_147 : i32
      scf.if %cond3A_148 {
        "tpu.region"() ({
          %run_scoped3A_154 = tpu.sem_alloc : memref<!tpu.dma_semaphore, #tpu.memory_space<semaphore_mem>>
          %dma_start3A = arith.constant 0 : i32
          %dma_start3A_155 = arith.constant 0 : i32
          %dma_start3A_156 = tpu.memref_slice %arg12[%scan3A_124, %dma_start3A, %dma_start3A_155] : memref<2x256x64xf32, #tpu.memory_space<vmem>> -> memref<1x128x64xf32, #tpu.memory_space<vmem>>
          %dma_start3A_157 = tpu.memref_squeeze %dma_start3A_156 : memref<1x128x64xf32, #tpu.memory_space<vmem>> -> memref<128x64xf32, #tpu.memory_space<vmem>>
          %dma_start3A_158 = arith.constant 0 : i32
          %dma_start3A_159 = tpu.memref_slice %arg6[%add3A_138, %dma_start3A_158] : memref<10240x64xf32, #tpu.memory_space<hbm>> -> memref<128x64xf32, #tpu.memory_space<hbm>>
          %dma_start3A_160 = arith.constant 0 : i32
          %dma_start3A_161 = tpu.memref_slice %arg6[%add3A_138, %dma_start3A_160] : memref<10240x64xf32, #tpu.memory_space<hbm>> -> memref<128x64xf32, #tpu.memory_space<hbm>>
          %dma_start3A_162 = arith.constant 0 : i32
          %dma_start3A_163 = arith.constant 0 : i32
          %dma_start3A_164 = tpu.memref_slice %arg12[%scan3A_124, %dma_start3A_162, %dma_start3A_163] : memref<2x256x64xf32, #tpu.memory_space<vmem>> -> memref<1x128x64xf32, #tpu.memory_space<vmem>>
          %dma_start3A_165 = tpu.memref_squeeze %dma_start3A_164 : memref<1x128x64xf32, #tpu.memory_space<vmem>> -> memref<128x64xf32, #tpu.memory_space<vmem>>
          tpu.enqueue_dma source(%dma_start3A_165 : memref<128x64xf32, #tpu.memory_space<vmem>>) target(%dma_start3A_161 : memref<128x64xf32, #tpu.memory_space<hbm>>) target_semaphore(%run_scoped3A_154 : memref<!tpu.dma_semaphore, #tpu.memory_space<semaphore_mem>>)
          %dma_wait3A = arith.constant 0 : i32
          %dma_wait3A_166 = arith.constant 0 : i32
          %dma_wait3A_167 = tpu.memref_slice %arg12[%scan3A_124, %dma_wait3A, %dma_wait3A_166] : memref<2x256x64xf32, #tpu.memory_space<vmem>> -> memref<1x128x64xf32, #tpu.memory_space<vmem>>
          %dma_wait3A_168 = tpu.memref_squeeze %dma_wait3A_167 : memref<1x128x64xf32, #tpu.memory_space<vmem>> -> memref<128x64xf32, #tpu.memory_space<vmem>>
          %dma_wait3A_169 = arith.constant 0 : i32
          %dma_wait3A_170 = tpu.memref_slice %arg6[%add3A_138, %dma_wait3A_169] : memref<10240x64xf32, #tpu.memory_space<hbm>> -> memref<128x64xf32, #tpu.memory_space<hbm>>
          %dma_wait3A_171 = arith.constant 0 : i32
          %dma_wait3A_172 = tpu.memref_slice %arg6[%add3A_138, %dma_wait3A_171] : memref<10240x64xf32, #tpu.memory_space<hbm>> -> memref<128x64xf32, #tpu.memory_space<hbm>>
          %dma_wait3A_173 = arith.constant 0 : i32
          %dma_wait3A_174 = arith.constant 0 : i32
          %dma_wait3A_175 = tpu.memref_slice %arg12[%scan3A_124, %dma_wait3A_173, %dma_wait3A_174] : memref<2x256x64xf32, #tpu.memory_space<vmem>> -> memref<1x128x64xf32, #tpu.memory_space<vmem>>
          %dma_wait3A_176 = tpu.memref_squeeze %dma_wait3A_175 : memref<1x128x64xf32, #tpu.memory_space<vmem>> -> memref<128x64xf32, #tpu.memory_space<vmem>>
          tpu.wait_dma2 semaphore(%run_scoped3A_154 : memref<!tpu.dma_semaphore, #tpu.memory_space<semaphore_mem>>) src(%dma_wait3A_176 : memref<128x64xf32, #tpu.memory_space<vmem>>) dst(%dma_wait3A_172 : memref<128x64xf32, #tpu.memory_space<hbm>>)
          tpu.yield
        }) : () -> ()
      } else {
      }
      %eq3A_149 = arith.constant 1 : i32
      %eq3A_150 = arith.cmpi eq, %arg0, %eq3A_149 : i32
      %convert_element_type3A_151 = arith.extui %eq3A_150 : i1 to i32
      %cond3A_152 = arith.constant 0 : i32
      %cond3A_153 = arith.cmpi ne, %convert_element_type3A_151, %cond3A_152 : i32
      scf.if %cond3A_153 {
        "tpu.region"() ({
          %run_scoped3A_154 = tpu.sem_alloc : memref<!tpu.dma_semaphore, #tpu.memory_space<semaphore_mem>>
          %dma_start3A = arith.constant 0 : i32
          %dma_start3A_155 = arith.constant 0 : i32
          %dma_start3A_156 = tpu.memref_slice %arg12[%scan3A_124, %dma_start3A, %dma_start3A_155] : memref<2x256x64xf32, #tpu.memory_space<vmem>> -> memref<1x128x64xf32, #tpu.memory_space<vmem>>
          %dma_start3A_157 = tpu.memref_squeeze %dma_start3A_156 : memref<1x128x64xf32, #tpu.memory_space<vmem>> -> memref<128x64xf32, #tpu.memory_space<vmem>>
          %dma_start3A_158 = arith.constant 0 : i32
          %dma_start3A_159 = tpu.memref_slice %arg7[%add3A_138, %dma_start3A_158] : memref<10240x64xf32, #tpu.memory_space<hbm>> -> memref<128x64xf32, #tpu.memory_space<hbm>>
          %dma_start3A_160 = arith.constant 0 : i32
          %dma_start3A_161 = tpu.memref_slice %arg7[%add3A_138, %dma_start3A_160] : memref<10240x64xf32, #tpu.memory_space<hbm>> -> memref<128x64xf32, #tpu.memory_space<hbm>>
          %dma_start3A_162 = arith.constant 0 : i32
          %dma_start3A_163 = arith.constant 0 : i32
          %dma_start3A_164 = tpu.memref_slice %arg12[%scan3A_124, %dma_start3A_162, %dma_start3A_163] : memref<2x256x64xf32, #tpu.memory_space<vmem>> -> memref<1x128x64xf32, #tpu.memory_space<vmem>>
          %dma_start3A_165 = tpu.memref_squeeze %dma_start3A_164 : memref<1x128x64xf32, #tpu.memory_space<vmem>> -> memref<128x64xf32, #tpu.memory_space<vmem>>
          tpu.enqueue_dma source(%dma_start3A_165 : memref<128x64xf32, #tpu.memory_space<vmem>>) target(%dma_start3A_161 : memref<128x64xf32, #tpu.memory_space<hbm>>) target_semaphore(%run_scoped3A_154 : memref<!tpu.dma_semaphore, #tpu.memory_space<semaphore_mem>>)
          %dma_wait3A = arith.constant 0 : i32
          %dma_wait3A_166 = arith.constant 0 : i32
          %dma_wait3A_167 = tpu.memref_slice %arg12[%scan3A_124, %dma_wait3A, %dma_wait3A_166] : memref<2x256x64xf32, #tpu.memory_space<vmem>> -> memref<1x128x64xf32, #tpu.memory_space<vmem>>
          %dma_wait3A_168 = tpu.memref_squeeze %dma_wait3A_167 : memref<1x128x64xf32, #tpu.memory_space<vmem>> -> memref<128x64xf32, #tpu.memory_space<vmem>>
          %dma_wait3A_169 = arith.constant 0 : i32
          %dma_wait3A_170 = tpu.memref_slice %arg7[%add3A_138, %dma_wait3A_169] : memref<10240x64xf32, #tpu.memory_space<hbm>> -> memref<128x64xf32, #tpu.memory_space<hbm>>
          %dma_wait3A_171 = arith.constant 0 : i32
          %dma_wait3A_172 = tpu.memref_slice %arg7[%add3A_138, %dma_wait3A_171] : memref<10240x64xf32, #tpu.memory_space<hbm>> -> memref<128x64xf32, #tpu.memory_space<hbm>>
          %dma_wait3A_173 = arith.constant 0 : i32
          %dma_wait3A_174 = arith.constant 0 : i32
          %dma_wait3A_175 = tpu.memref_slice %arg12[%scan3A_124, %dma_wait3A_173, %dma_wait3A_174] : memref<2x256x64xf32, #tpu.memory_space<vmem>> -> memref<1x128x64xf32, #tpu.memory_space<vmem>>
          %dma_wait3A_176 = tpu.memref_squeeze %dma_wait3A_175 : memref<1x128x64xf32, #tpu.memory_space<vmem>> -> memref<128x64xf32, #tpu.memory_space<vmem>>
          tpu.wait_dma2 semaphore(%run_scoped3A_154 : memref<!tpu.dma_semaphore, #tpu.memory_space<semaphore_mem>>) src(%dma_wait3A_176 : memref<128x64xf32, #tpu.memory_space<vmem>>) dst(%dma_wait3A_172 : memref<128x64xf32, #tpu.memory_space<hbm>>)
          tpu.yield
        }) : () -> ()
      } else {
      }
    }
    %scan3A_130 = arith.constant 5 : i32
    return
  }
}

</mosaic_0001>

<sc_bundles>
// kernel: _run.3.cloned.1.call-start
scs
__scs_entry_jumppad:
0x0: {  	(pc) =	sbr.rel $0x88, $3  }
0x1: {  	(tag) =	ssettag $0x0;
	lr =	simm.s32 $0x1  }
0x2: {  	[smem:$0x3F9D] =	sst lr;
	_ =	strace $0xD0000000  }
0x3: {  	_ = 	snop  }
0x4: {  	_ = 	snop  }
0x5: {  	_ = 	snop  }
0x6: {  	_ = 	snop  }
0x7: {  	_ = 	snop  }
__scs_overlays_trampoline_lowered:
0x8: {  	[smem:$0x3FAC] =	sst s0  }
0x9: {  	[smem:$0x3FAD] =	sst s1  }
0xa: {  	[smem:$0x3FAE] =	sst s2  }
0xb: {  	[smem:$0x3FAF] =	sst s3  }
0xc: {  	[smem:$0x3FB0] =	sst s4  }
0xd: {  	[smem:$0x3FB1] =	sst s5  }
0xe: {  	[smem:$0x3FB2] =	sst s6  }
0xf: {  	[smem:$0x3FB3] =	sst s7  }
0x10: {  	[smem:$0x3FB4] =	sst s8  }
0x11: {  	[smem:$0x3FB5] =	sst s9;
	s0 =	simm.s32 @!p0 $0x0  }
0x12: {  	s1 =	sld [smem:$0x3F9B];
	s0 =	simm.s32 @p0 $0x1  }
0x13: {  	[smem:$0x3FB6] =	sst s0;
	s0 =	simm.s32 @!p1 $0x0  }
0x14: {  	s2 =	sld [smem:$0x3F9A];
	s0 =	simm.s32 @p1 $0x1  }
0x15: {  	[smem:$0x3FB7] =	sst s0;
	s0 =	simm.s32 @!p2 $0x0  }
0x16: {  	s3 =	sld [smem:$0x3FDB];
	s0 =	simm.s32 @p2 $0x1  }
0x17: {  	s4 =	simm.s32 $0x1BF5;
	[smem:$0x3FB9] =	sst s0  }
0x18: {  	s0 =	sld [smem:$0x3F9C];
	_ =	swait.ge [sflag:s4], $0x0  }
0x19: {  	s7 =	sld [smem:$0x3F9D]  }
0x1a: {  	s8 =	sadd.s32 $0xFFFFE003, lr  }
0x1b: {  	s9 =	sadd.s32 $0xFFFFFEF7, lr;
	s5 =	simm.s32 $0xFFFFFFFF;
	p2 =	slt.u32 s8, $0xFFFFF086  }
0x1c: {  	p1 =	slt.u32 s9, $0xF7A;
	s5 =	simm.s32 @!p2 $0x0  }
0x1d: {  	s5 =	simm.s32 @p1 $0x1;
	p0 =	seq.s32 s7, s2  }
0x1e: {  	s7 =	smul.u32 @!p0 $0xF7A, s2;
	p2 =	seq.s32 @!p0 s5, $0x0  }
0x1f: {  	s9 =	smul.u32 $0xF7A, s1;
	s8 =	simm.s32 @!p0 $0x1BF5;
	p2 =	por !p2, p0  }
0x20: {  	[sflag:s8] =	ssyncset.s32 @!p0 $0xFFFFF086;
	s6 =	sadd.s32 @!p0 s3, s7;
	s7 =	simm.s32 @!p0 $0x108  }
0x21: {  	s3 =	sadd.s32 s3, s9;
	s6 =	sadd.s32 @!p0 $0x88, s6;
	s7 =	simm.s32 @p2 $0x1082  }
0x22: {  	[simem:s7], [sflag:s8] =	dma.local @!p0 [hbm:s6], $0xF7A  }
0x23: {  	s9 =	sor.u32 $0xD0000000, s2;
	s6 =	simm.s32 $0x108;
	_ =	swait.ge @!p0 [sflag:s8], $0x0  }
0x24: {  	s3 =	sadd.s32 $0x88, s3;
	s6 =	simm.s32 @!p1 $0x1082;
	[sflag:s4] =	ssyncset.s32 $0xFFFFF086  }
0x25: {  	[simem:s6], [sflag:s4] =	dma.local [hbm:s3], $0xF7A  }
0x26: {  	[smem:$0x3F9D] =	sst s1;
	(tag) =	ssettag s2;
	_ =	strace s9  }
0x27: {  	s1 =	sld [smem:$0x3FAD]  }
0x28: {  	s2 =	sld [smem:$0x3FAE]  }
0x29: {  	s4 =	sld [smem:$0x3FB0]  }
0x2a: {  	p0 =	seq.s32 s5, $0x0;
	s5 =	sld [smem:$0x3FB1]  }
0x2b: {  	s6 =	sld [smem:$0x3FB2]  }
0x2c: {  	s7 =	sld [smem:$0x3FB3]  }
0x2d: {  	s3 =	simm.s32 $0x108;
	s8 =	sld [smem:$0x3FB4]  }
0x2e: {  	s3 =	simm.s32 @!p0 $0x1082;
	s9 =	sld [smem:$0x3FB5]  }
0x2f: {  	lr =	sadd.s32 s0, s3;
	s0 =	sld [smem:$0x3FAC]  }
0x30: {  	s3 =	sld [smem:$0x3FAF]  }
0x31: {  	[smem:$0x3FB8] =	sst s10  }
0x32: {  	s10 =	sld [smem:$0x3FB6];
	_ =	sdelay $0x3  }
0x33: {  	p0 =	seq.s32 s10, $0x1;
	s10 =	sld [smem:$0x3FB8];
	_ =	sdelay $0x3  }
0x34: {  	[smem:$0x3FB8] =	sst s10  }
0x35: {  	s10 =	sld [smem:$0x3FB7];
	_ =	sdelay $0x3  }
0x36: {  	p1 =	seq.s32 s10, $0x1;
	s10 =	sld [smem:$0x3FB8];
	_ =	sdelay $0x3  }
0x37: {  	[smem:$0x3FB8] =	sst s10  }
0x38: {  	s10 =	sld [smem:$0x3FB9]  }
0x39: {  	_ = 	snop;
	(pc) =	sbr.ind lr, $3  }
0x3a: {  	_ = 	snop  }
0x3b: {  	_ = 	snop  }
0x3c: {  	p2 =	seq.s32 s10, $0x1;
	s10 =	sld [smem:$0x3FB8]  }
0x3d: {  	_ =	shalt  }
0x3e: {  	_ =	shalt  }
0x3f: {  	_ =	shalt  }
0x40: {  	_ =	shalt  }
0x41: {  	_ =	shalt  }
0x42: {  	_ =	shalt  }
0x43: {  	_ =	shalt  }
0x44: {  	_ =	shalt  }
0x45: {  	_ =	shalt  }
0x46: {  	_ =	shalt  }
0x47: {  	_ =	shalt  }
0x48: {  	_ =	shalt  }
0x49: {  	_ =	shalt  }
0x4a: {  	_ =	shalt  }
0x4b: {  	_ =	shalt  }
0x4c: {  	_ =	shalt  }
0x4d: {  	_ =	shalt  }
0x4e: {  	_ =	shalt  }
0x4f: {  	_ =	shalt  }
0x50: {  	_ =	shalt  }
0x51: {  	_ =	shalt  }
0x52: {  	_ =	shalt  }
0x53: {  	_ =	shalt  }
0x54: {  	_ =	shalt  }
0x55: {  	_ =	shalt  }
0x56: {  	_ =	shalt  }
0x57: {  	_ =	shalt  }
0x58: {  	_ =	shalt  }
0x59: {  	_ =	shalt  }
0x5a: {  	_ =	shalt  }
0x5b: {  	_ =	shalt  }
0x5c: {  	_ =	shalt  }
0x5d: {  	_ =	shalt  }
0x5e: {  	_ =	shalt  }
0x5f: {  	_ =	shalt  }
0x60: {  	_ =	shalt  }
0x61: {  	_ =	shalt  }
0x62: {  	_ =	shalt  }
0x63: {  	_ =	shalt  }
0x64: {  	_ =	shalt  }
0x65: {  	_ =	shalt  }
0x66: {  	_ =	shalt  }
0x67: {  	_ =	shalt  }
0x68: {  	_ =	shalt  }
0x69: {  	_ =	shalt  }
0x6a: {  	_ =	shalt  }
0x6b: {  	_ =	shalt  }
0x6c: {  	_ =	shalt  }
0x6d: {  	_ =	shalt  }
0x6e: {  	_ =	shalt  }
0x6f: {  	_ =	shalt  }
0x70: {  	_ =	shalt  }
0x71: {  	_ =	shalt  }
0x72: {  	_ =	shalt  }
0x73: {  	_ =	shalt  }
0x74: {  	_ =	shalt  }
0x75: {  	_ =	shalt  }
0x76: {  	_ =	shalt  }
0x77: {  	_ =	shalt  }
0x78: {  	_ =	shalt  }
0x79: {  	_ =	shalt  }
0x7a: {  	_ =	shalt  }
0x7b: {  	_ =	shalt  }
0x7c: {  	_ =	shalt  }
0x7d: {  	_ =	shalt  }
0x7e: {  	_ =	shalt  }
0x7f: {  	_ =	shalt  }
0x80: {  	_ =	shalt  }
0x81: {  	_ =	shalt  }
0x82: {  	_ =	shalt  }
0x83: {  	_ =	shalt  }
0x84: {  	_ =	shalt  }
0x85: {  	_ =	shalt  }
0x86: {  	_ =	shalt  }
0x87: {  	_ =	shalt  }
.Lfunc_end0:
.L_simem_size_0:
called_computation_lowered:
.L_overlay_start_0:
0x88: {  	s2 =	sld [smem:$0x3FD9]  }
0x89: {  	s3 =	sld [smem:$0x3FFE];
	_ =	sdelay $0x1  }
0x8a: {  	s1 =	srdreg.scid  }
0x8b: {  	s0 =	sand.u32 $0x1, s1  }
0x8c: {  	s17 =	sshll.u32 s0, $0xA;
	s2 =	sadd.s32 s3, s2  }
0x8d: {  	s2 =	sadd.s32 s2, s17  }
0x8e: {  	[smem:$0x3FC4] =	sst s2  }
0x8f: {  	_ = 	snop  }
0x90: {  	s2 =	sld [smem:$0x3FC7]  }
0x91: {  	s18 =	sld [smem:$0x3FC6]  }
0x92: {  	s4 =	sld [smem:$0x3FD0];
	(tm) =	ssettm $0x1  }
0x93: {  	s5 =	sld [smem:$0x3FFB];
	_ =	sdelay $0x3  }
0x94: {  	_ =	strace s5  }
0x95: {  	s5 =	sld [smem:$0x3FFC];
	_ =	sdelay $0x3  }
0x96: {  	_ =	strace s5  }
0x97: {  	s5 =	sld [smem:$0x3FFD];
	_ =	sdelay $0x3  }
0x98: {  	_ =	strace s5  }
0x99: {  	_ =	strace $0x8FFFFFFF  }
0x9a: {  	s19 =	sld [smem:$0x3FDB];
	_ =	sdelay $0x1  }
0x9b: {  	s6 =	simm.s32 $_scs_section_size  }
0x9c: {  	s7 =	simm.s32 $_size__tile_overlayer_lowered;
	s8 =	simm.s32 $_tile_overlayer_lowered  }
0x9d: {  	s22 =	simm.s32 $0x1BFF;
	s21 =	sshll.u32 s8, $0x1;
	s5 =	sadd.s32 s6, s19  }
0x9e: {  	s9 =	simm.s32 $0x0;
	s20 =	sshll.u32 s7, $0x1;
	s7 =	sadd.s32 s21, s5  }
0x9f: {  	[timem:s9], [sflag:s22] =	dma.local [hbm:s7], s20  }
0xa0: {  	_ =	swait.ge [sflag:s22], s20  }
0xa1: {  	s6 =	ssub.s32 $0x0, s20;
	[sflag:s22] =	ssyncset.done $0x0  }
0xa2: {  	[sflag:s22] =	ssyncadd.s32 s6;
	_ =	sdelay $0x1  }
0xa3: {  	s23 =	simm.s32 $0x1B8B  }
0xa4: {  	_ =	swait.ge [sflag:s23], $0x1  }
0xa5: {  	[sflag:s23] =	ssyncset.done $0x0  }
0xa6: {  	s25 =	simm.s32 $0x1B8E;
	s24 =	sld [smem:$0x3FFE];
	[sflag:s23] =	ssyncadd.s32 $0xFFFFFFFF  }
0xa7: {  	s26 =	simm.s32 $execute0_lowered;
	[smem:$0x3FD2] =	sst s25  }
0xa8: {  	s7 =	sshll.u32 s26, $0x1;
	_ =	strace $0x80000046;
	[dreg:$0x1] =	wrdreg $0xFFFFFFFF  }
0xa9: {  	s28 =	simm.s32 $_size_execute0_lowered;
	s5 =	sadd.s32 s5, s7;
	[dreg:$0x0] =	wrdreg $0x0  }
0xaa: {  	s7 =	sshll.u32 s28, $0x1;
	[dreg:$0x2] =	wrdreg s5  }
0xab: {  	[dreg:$0x3] =	wrdreg s7  }
0xac: {  	[dreg:$0x4] =	wrdreg $0xC0  }
0xad: {  	_ =	task [dreg:s9], $0x5FFFF  }
0xae: {  	[dreg:$0x1] =	wrdreg $0xFFFFFFFF  }
0xaf: {  	[dreg:$0x0] =	wrdreg $0x60  }
0xb0: {  	[dreg:$0x2] =	wrdreg s4  }
0xb1: {  	[dreg:$0x3] =	wrdreg s24  }
0xb2: {  	[dreg:$0x4] =	wrdreg s2  }
0xb3: {  	[dreg:$0x5] =	wrdreg s18  }
0xb4: {  	[dreg:$0x6] =	wrdreg $0x96000  }
0xb5: {  	[dreg:$0x7] =	wrdreg $0x136000  }
0xb6: {  	[dreg:$0x8] =	wrdreg $0x1D6000  }
0xb7: {  	[dreg:$0x9] =	wrdreg $0x9  }
0xb8: {  	_ =	task.clear_ibuf [dreg:s9], $0xAFFFF;
	_ =	strace $0x90000046  }
0xb9: {  	s29 =	simm.s32 $0x9;
	_ =	strace $0x80000048  }
0xba: {  	_ =	swait.ge [sflag:s29], $0x1  }
0xbb: {  	[sflag:s29] =	ssyncadd.s32 $0xFFFFFFFF  }
0xbc: {  	_ =	strace $0x90000048  }
0xbd: {  	_ =	sfence  }
0xbe: {  	s30 =	sld [smem:$0x0];
	_ =	sdelay $0x2  }
0xbf: {  	s31 =	sshll.u32 s1, $0xD;
	s1 =	sshrl.u32 s1, $0x2  }
0xc0: {  	s3 =	sand.u32 $0x4000, s31;
	s1 =	sadd.s32 s1, s30  }
0xc1: {  	s0 =	sor.u32 s3, s0;
	s1 =	sshll.u32 s1, $0x11  }
0xc2: {  	s0 =	sor.u32 s1, s0  }
0xc3: {  	s0 =	sadd.s32 $0x8F2B, s0  }
0xc4: {  	[sflag:s0] =	ssyncadd.remote.s32 $0x1  }
0xc5: {  	_ =	sfence.sel $0xFFFF  }
0xc6: {  	[dreg:$0x0] =	wrdreg $0xFFFFFFFF;
	(pc) =	sbr.abs _section_cstart, $3  }
0xc7: {  	[dreg:$0x1] =	wrdreg $0xFFFFFFFF  }
0xc8: {  	_ =	task.clear_ibuf [dreg:s9], $0x2FFFF;
	_ =	strace $0x9FFFFFFF  }
0xc9: {  	(tm) =	ssettm $0x7FFFFFFF  }
tec
execute0_lowered:
.L_overlay_start_1:
0x0: {  	(tag) =	ssettag $0x1  }
0x1: {  	s0 =	rddreg [dreg:$0x0]  }
0x2: {  	s6 =	rddreg [dreg:$0x1]  }
0x3: {  	s1 =	rddreg [dreg:$0x2]  }
0x4: {  	s2 =	rddreg [dreg:$0x3]  }
0x5: {  	s3 =	rddreg [dreg:$0x4]  }
0x6: {  	s4 =	rddreg [dreg:$0x5]  }
0x7: {  	s8 =	srdreg.scid;
	s21 =	stileid.u32  }
0x8: {  	s5 =	rddreg [dreg:$0x6];
	s10 =	sand.u32 $0x1, s8;
	s8 =	smul.u32 $0x280, s21  }
0x9: {  	s7 =	simm.s32 $0x0;
	s29 =	simm.s32 $0x6;
	s17 =	smul.u32 $0xA000, s21  }
0xa: {  	s28 =	simm.s32 $0x2;
	s30 =	simm.s32 $0x3;
	s12 =	smul.u32 $0xA00, s21  }
0xb: {  	[smem:$0x7FF] =	sst s7;
	s15 =	sadd.s32 $0x1200, s6;
	s13 =	smul.u32 $0x28000, s21  }
0xc: {  	s16 =	sadd.s32 $0x29200, s6;
	s9 =	sadd.s32 $0x15200, s6;
	s31 =	smul.u32 $0x5000, s21  }
0xd: {  	_ =	strace $0x80000047;
	s11 =	ssub.s32 $0x2, s10;
	p0 =	seq.s32 s10, $0x0  }
0xe: {  	s20 =	sshrl.u32 s11, $0x1;
	s18 =	sadd.s32 s17, s3;
	s19 =	sshrl.u32 s17, $0x3  }
0xf: {  	s10 =	sadd.s32 s1, s12;
	s14 =	sor.u32 $0x20, s12;
	s22 =	sshrl.u32 s17, $0x2  }
0x10: {  	s23 =	sadd.s32 $0x80, s8;
	s26 =	sadd.s32 $0x100, s8;
	s15 =	smov.u32 @p0 s0  }
0x11: {  	s9 =	smov.u32 @p0 s16;
	s29 =	simm.s32 @!p0 $0x5;
	s6 =	ssub.s32 s11, s20  }
0x12: {  	s11 =	sadd.s32 s2, s12;
	s20 =	sshrl.u32 s13, $0x2;
	s12 =	sadd.s32 s1, s14  }
0x13: {  	s24 =	sshll.u32 s23, $0x6;
	s25 =	sshll.u32 s23, $0x4;
	s23 =	sadd.s32 s15, s19  }
0x14: {  	s13 =	sadd.s32 s2, s14;
	s6 =	smax.u32 s6, $0x1;
	[dreg:$0xf] =	wrdreg s23  }
0x15: {  	s14 =	sadd.s32 s20, s3;
	s20 =	sadd.s32 s20, s4;
	[dreg:$0x8] =	wrdreg s6  }
0x16: {  	s17 =	sshll.u32 s26, $0x4;
	[dreg:$0x9] =	wrdreg s20;
	s6 =	sadd.s32 s22, s5  }
0x17: {  	s19 =	sshll.u32 s21, $0x6;
	s22 =	sadd.s32 s17, s5;
	[dreg:$0xa] =	wrdreg s6  }
0x18: {  	s21 =	simm.s32 $0x0;
	s23 =	sadd.s32 $0x2000, s14;
	[dreg:$0xe] =	wrdreg s22  }
0x19: {  	s20 =	sshll.u32 s26, $0x6;
	s6 =	sadd.s32 s24, s4;
	[dreg:$0x16] =	wrdreg s23  }
0x1a: {  	s26 =	sadd.s32 $0x200, s8;
	s0 =	sadd.s32 s20, s4;
	[dreg:$0xb] =	wrdreg s6  }
0x1b: {  	s24 =	sadd.s32 $0x180, s8;
	s20 =	sor.u32 $0x1C05, s19;
	[dreg:$0xd] =	wrdreg s0  }
0x1c: {  	s16 =	sshll.u32 s26, $0x6;
	s22 =	sshrl.u32 s18, $0x3;
	[dreg:$0x14] =	wrdreg s20  }
0x1d: {  	s17 =	sshll.u32 s26, $0x4;
	s26 =	sadd.s32 $0x8000, s14;
	[dreg:$0x15] =	wrdreg s22  }
0x1e: {  	s6 =	sadd.s32 s25, s5;
	s25 =	sshll.u32 s24, $0x6;
	[dreg:$0x19] =	wrdreg s26  }
0x1f: {  	s0 =	sshll.u32 s24, $0x4;
	s24 =	sadd.s32 $0x4000, s14;
	[dreg:$0xc] =	wrdreg s6  }
0x20: {  	s18 =	simm.s32 $0x1600;
	s6 =	sadd.s32 s25, s4;
	[dreg:$0x17] =	wrdreg s24  }
0x21: {  	s19 =	simm.s32 $0x600;
	s0 =	sadd.s32 s0, s5;
	[dreg:$0x10] =	wrdreg s6  }
0x22: {  	s23 =	simm.s32 $0x80;
	s25 =	sadd.s32 $0x6000, s14;
	[dreg:$0x11] =	wrdreg s0  }
0x23: {  	s26 =	simm.s32 $0xE00;
	s0 =	sadd.s32 s16, s4;
	[dreg:$0x18] =	wrdreg s25  }
0x24: {  	s20 =	simm.s32 $0x6;
	[dreg:$0x12] =	wrdreg s0;
	s0 =	sadd.s32 s17, s5  }
0x25: {  	v0 =	vimm.f32 $0.0e+00;
	v1 =	vimm.f32 $1.000000000e+00;
	s25 =	simm.s32 $0x1;
	s17 =	simm.s32 $0x5;
	[dreg:$0x13] =	wrdreg s0  }
.LBB2_1:
0x26: {  	s0 =	rddreg [dreg:$0xf]  }
0x27: {  	s6 =	rddreg [dreg:$0x14]  }
0x28: {  	s15 =	rddreg [dreg:$0x15]  }
0x29: {  	[spmem:s15], [sflag:s6] =	dma.local [hbm:s0], $0x1400  }
0x2a: {  	_ =	swait.ge [sflag:s17], $0x1400  }
0x2b: {  	[sflag:s17] =	ssyncset.done $0x0  }
0x2c: {  	s0 =	simm.s32 $0x0;
	[sflag:s17] =	ssyncadd.s32 $0xFFFFEC00  }
.LBB2_2:
0x2d: {  	p0 =	seq.s32 s0, $0x7F00  }
.Ltmp0:
0x2e: {  	s6 =	sshra.s32 s0, $0x2;
	(pc) =	sbr.rel @!p0 .LBB2_2-.Ltmp0, $4  }
0x2f: {  	[tilespmem:s6+$0x1600] =	vst v0  }
0x30: {  	[tilespmem:s6+$0x1610] =	vst v0  }
0x31: {  	[tilespmem:s6+$0x1620] =	vst v0  }
0x32: {  	s0 =	sadd.s32 $0x100, s0;
	[tilespmem:s6+$0x1630] =	vst v0  }
0x33: {  	s0 =	simm.s32 $0x40;
	s6 =	simm.s32 $0x0  }
.LBB2_4:
0x34: {  	p0 =	seq.s32 s0, $0x1FC0;
	[tilespmem:s6+$0x600] =	vst v0;
	s6 =	smov.u32 s0;
	s0 =	sadd.s32 $0x40, s0  }
.Ltmp1:
0x35: {  	(pc) =	sbr.rel @!p0 .LBB2_4-.Ltmp1, $2  }
0x36: {  	_ =	sdelay $0x2  }
0x37: {  	s6 =	sshra.s32 s6, $0x2  }
0x38: {  	[tilespmem:s6+$0x600] =	vst v0;
	s0 =	rddreg [dreg:$0x9]  }
0x39: {  	[spmem:s0] =	stream.linear.scatter [tilespmem:s18], [sflag:$0x5], $0x2000, $0x38;
	[tilespmem:$0x1FE00] =	vst v63  }
0x3a: {  	_ =	swait.ge [sflag:s17], $0x2000  }
0x3b: {  	[sflag:s17] =	ssyncset.done $0x0  }
0x3c: {  	s15 =	rddreg [dreg:$0xa];
	[sflag:s17] =	ssyncadd.s32 $0xFFFFE000  }
0x3d: {  	[spmem:s15] =	stream.linear.scatter [tilespmem:s19], [sflag:$0x5], $0x800, $0x38;
	[tilespmem:$0x1FE00] =	vst v63  }
0x3e: {  	_ =	swait.ge [sflag:s17], $0x800  }
0x3f: {  	[sflag:s17] =	ssyncset.done $0x0  }
0x40: {  	s16 =	rddreg [dreg:$0xb];
	[sflag:s17] =	ssyncadd.s32 $0xFFFFF800  }
0x41: {  	[spmem:s16] =	stream.linear.scatter [tilespmem:s18], [sflag:$0x5], $0x2000, $0x38;
	[tilespmem:$0x1FE00] =	vst v63  }
0x42: {  	_ =	swait.ge [sflag:s17], $0x2000  }
0x43: {  	[sflag:s17] =	ssyncset.done $0x0  }
0x44: {  	s22 =	rddreg [dreg:$0xc];
	[sflag:s17] =	ssyncadd.s32 $0xFFFFE000  }
0x45: {  	[spmem:s22] =	stream.linear.scatter [tilespmem:s19], [sflag:$0x5], $0x800, $0x38;
	[tilespmem:$0x1FE00] =	vst v63  }
0x46: {  	_ =	swait.ge [sflag:s17], $0x800  }
0x47: {  	[sflag:s17] =	ssyncset.done $0x0  }
0x48: {  	s24 =	rddreg [dreg:$0xd];
	[sflag:s17] =	ssyncadd.s32 $0xFFFFF800  }
0x49: {  	[spmem:s24] =	stream.linear.scatter [tilespmem:s18], [sflag:$0x5], $0x2000, $0x38;
	[tilespmem:$0x1FE00] =	vst v63  }
0x4a: {  	_ =	swait.ge [sflag:s17], $0x2000  }
0x4b: {  	[sflag:s17] =	ssyncset.done $0x0  }
0x4c: {  	s6 =	rddreg [dreg:$0xe];
	[sflag:s17] =	ssyncadd.s32 $0xFFFFE000  }
0x4d: {  	[spmem:s6] =	stream.linear.scatter [tilespmem:s19], [sflag:$0x5], $0x800, $0x38;
	[tilespmem:$0x1FE00] =	vst v63  }
0x4e: {  	_ =	swait.ge [sflag:s17], $0x800  }
0x4f: {  	[sflag:s17] =	ssyncset.done $0x0  }
0x50: {  	s15 =	rddreg [dreg:$0x10];
	[sflag:s17] =	ssyncadd.s32 $0xFFFFF800  }
0x51: {  	[spmem:s15] =	stream.linear.scatter [tilespmem:s18], [sflag:$0x5], $0x2000, $0x38;
	[tilespmem:$0x1FE00] =	vst v63  }
0x52: {  	_ =	swait.ge [sflag:s17], $0x2000  }
0x53: {  	[sflag:s17] =	ssyncset.done $0x0  }
0x54: {  	s16 =	rddreg [dreg:$0x11];
	[sflag:s17] =	ssyncadd.s32 $0xFFFFE000  }
0x55: {  	[spmem:s16] =	stream.linear.scatter [tilespmem:s19], [sflag:$0x5], $0x800, $0x38;
	[tilespmem:$0x1FE00] =	vst v63  }
0x56: {  	_ =	swait.ge [sflag:s17], $0x800  }
0x57: {  	[sflag:s17] =	ssyncset.done $0x0  }
0x58: {  	s22 =	rddreg [dreg:$0x12];
	[sflag:s17] =	ssyncadd.s32 $0xFFFFF800  }
0x59: {  	[spmem:s22] =	stream.linear.scatter [tilespmem:s18], [sflag:$0x5], $0x2000, $0x38;
	[tilespmem:$0x1FE00] =	vst v63  }
0x5a: {  	_ =	swait.ge [sflag:s17], $0x2000  }
0x5b: {  	[sflag:s17] =	ssyncset.done $0x0  }
0x5c: {  	s24 =	rddreg [dreg:$0x13];
	[sflag:s17] =	ssyncadd.s32 $0xFFFFE000  }
0x5d: {  	[spmem:s24] =	stream.linear.scatter [tilespmem:s19], [sflag:$0x5], $0x800, $0x38;
	[tilespmem:$0x1FE00] =	vst v63  }
0x5e: {  	_ =	swait.ge [sflag:s17], $0x800  }
0x5f: {  	[sflag:s17] =	ssyncset.done $0x0  }
0x60: {  	s0 =	simm.s32 $0x40;
	s6 =	simm.s32 $0x0;
	[sflag:s17] =	ssyncadd.s32 $0xFFFFF800  }
.LBB2_6:
0x61: {  	p0 =	sne.s32 s0, $0x1FC0;
	[tilespmem:s6+$0xE00] =	vst v1;
	s6 =	smov.u32 s0;
	s0 =	sadd.s32 $0x40, s0  }
.Ltmp2:
0x62: {  	(pc) =	sbr.rel @p0 .LBB2_6-.Ltmp2, $2  }
0x63: {  	_ =	sdelay $0x2  }
0x64: {  	s6 =	sshra.s32 s6, $0x2  }
0x65: {  	[tilespmem:s6+$0xE00] =	vst v1  }
0x66: {  	s22 =	simm.s32 $0x0;
	[bflag:$0x0] =	sbarrier.arrive $0xFFFF  }
0x67: {  	[tilespmem:s22], [sflag:$0x5] =	stream.linear.gather [hbm4b:s10+s22], $0x100, $0x38;
	[tilespmem:$0x1FE00] =	vst v63  }
0x68: {  	_ =	swait.ge [sflag:s17], $0x100  }
0x69: {  	[sflag:s17] =	ssyncset.done $0x0  }
0x6a: {  	s0 =	simm.s32 $0x300;
	[sflag:s17] =	ssyncadd.s32 $0xFFFFFF00  }
0x6b: {  	[tilespmem:s0], [sflag:$0x5] =	stream.linear.gather [hbm4b:s11+s22], $0x100, $0x38;
	[tilespmem:$0x1FE00] =	vst v63  }
0x6c: {  	_ =	swait.ge [sflag:s17], $0x100  }
0x6d: {  	[sflag:s17] =	ssyncset.done $0x0  }
0x6e: {  	s15 =	simm.s32 $0x100;
	[sflag:s17] =	ssyncadd.s32 $0xFFFFFF00  }
0x6f: {  	[tilespmem:s15], [sflag:$0x5] =	stream.linear.gather [hbm4b:s12+s22], $0x100, $0x38;
	[tilespmem:$0x1FE00] =	vst v63  }
0x70: {  	_ =	swait.ge [sflag:s17], $0x100  }
0x71: {  	[sflag:s17] =	ssyncset.done $0x0  }
0x72: {  	s16 =	simm.s32 $0x400;
	[sflag:s17] =	ssyncadd.s32 $0xFFFFFF00  }
0x73: {  	[tilespmem:s16], [sflag:$0x5] =	stream.linear.gather [hbm4b:s13+s22], $0x100, $0x38;
	[tilespmem:$0x1FE00] =	vst v63  }
0x74: {  	_ =	swait.ge [sflag:s17], $0x100  }
.Ltmp3:
0x75: {  	[sflag:s17] =	ssyncset.done $0x0;
	(pc) =	sbr.rel .LBB2_8-.Ltmp3, $4  }
0x76: {  	[sflag:s17] =	ssyncadd.s32 $0xFFFFFF00  }
0x77: {  	[tilespmem:s18], [sflag:$0x1] =	stream.indirect.gather [spmem:s3], $0x40, s22, s23, $0xb8;
	[tilespmem:$0x1FE00] =	vst v63  }
0x78: {  	s24 =	simm.s32 $0x3600  }
0x79: {  	[tilespmem:s24], [sflag:$0x1] =	stream.indirect.gather [spmem:s3], $0x40, s23, s23, $0xb8;
	[tilespmem:$0x1FE00] =	vst v63  }
.LBB2_11:
0x7a: {  	s15 =	sand.u32 $0xFF, s6  }
0x7b: {  	s15 =	smul.u32 $0xAB, s15;
	_ =	sdelay $0x1  }
0x7c: {  	s15 =	sshrl.u32 s15, $0x9  }
0x7d: {  	s15 =	smul.u32 $0x3, s15;
	_ =	sdelay $0x1  }
0x7e: {  	s15 =	ssub.s32 s6, s15  }
0x7f: {  	s16 =	sshll.u32 s0, $0xE;
	s15 =	sand.u32 $0xFF, s15  }
0x80: {  	s24 =	sxor.u32 $0x5600, s16;
	s15 =	sshll.u32 s15, $0x8  }
0x81: {  	[tilespmem:s24], [sflag:$0x1] =	stream.indirect.gather [spmem:s3], $0x40, s15, s23, $0xb8;
	[tilespmem:$0x1FE00] =	vst v63  }
0x82: {  	s16 =	sxor.u32 $0x7600, s16;
	s15 =	sor.u32 $0x80, s15  }
0x83: {  	[tilespmem:s16], [sflag:$0x1] =	stream.indirect.gather [spmem:s3], $0x40, s15, s23, $0xb8;
	[tilespmem:$0x1FE00] =	vst v63  }
0x84: {  	s15 =	smov.u32 s6  }
.LBB2_12:
0x85: {  	s6 =	smul.u32 $0xAB, s22;
	_ =	sdelay $0x1  }
0x86: {  	s6 =	sshrl.u32 s6, $0x9  }
0x87: {  	s6 =	sand.u32 $0x7F, s6  }
0x88: {  	s6 =	smul.u32 $0x3, s6;
	_ =	sdelay $0x1  }
0x89: {  	s6 =	ssub.s32 s22, s6  }
0x8a: {  	s6 =	sand.u32 $0xFF, s6  }
0x8b: {  	s0 =	sshll.u32 s0, $0xE;
	s6 =	sshll.u32 s6, $0x8  }
0x8c: {  	s16 =	sor.u32 $0x1600, s0;
	s24 =	sadd.s32 $0x300, s6  }
0x8d: {  	[spmem:s4] =	stream.indirect.scatter.add.f32 [tilespmem:s16], [sflag:$0x2], $0x40, s24, s23, $0xb8;
	[tilespmem:$0x1FE00] =	vst v63  }
0x8e: {  	p0 =	slt.u32 s15, $0x50  }
0x8f: {  	[spmem:s5] =	stream.indirect.scatter.add.f32 [tilespmem:s26], [sflag:$0x3], $0x10, s24, s23, $0xb8;
	[tilespmem:$0x1FE00] =	vst v63  }
.Ltmp4:
0x90: {  	_ = 	snop;
	(pc) =	sbr.rel @!p0 .LBB2_13-.Ltmp4, $4  }
0x91: {  	s0 =	sor.u32 $0x3600, s0;
	s6 =	sadd.s32 $0x380, s6  }
0x92: {  	[spmem:s4] =	stream.indirect.scatter.add.f32 [tilespmem:s0], [sflag:$0x2], $0x40, s6, s23, $0xb8;
	[tilespmem:$0x1FE00] =	vst v63  }
0x93: {  	s22 =	smov.u32 s15  }
0x94: {  	[spmem:s5] =	stream.indirect.scatter.add.f32 [tilespmem:s26], [sflag:$0x3], $0x10, s6, s23, $0xb8;
	[tilespmem:$0x1FE00] =	vst v63  }
.LBB2_8:
0x95: {  	_ =	swait.ge [sflag:s25], $0x2000  }
0x96: {  	[sflag:s25] =	ssyncset.done $0x0  }
0x97: {  	[sflag:s25] =	ssyncadd.s32 $0xFFFFE000  }
0x98: {  	_ =	swait.ge [sflag:s25], $0x2000  }
0x99: {  	p0 =	seq.s32 s22, $0x0;
	[sflag:s25] =	ssyncset.done $0x0  }
0x9a: {  	s0 =	simm.s32 @!p0 $0x2;
	[sflag:s25] =	ssyncadd.s32 $0xFFFFE000  }
0x9b: {  	_ =	swait.ge @!p0 [sflag:s0], $0x2000  }
0x9c: {  	[sflag:s0] =	ssyncset.done @!p0 $0x0  }
0x9d: {  	[sflag:s0] =	ssyncadd.s32 @!p0 $0xFFFFE000  }
0x9e: {  	p1 =	seq.s32 @!p0 s22, $0x4F;
	_ =	swait.ge @!p0 [sflag:s0], $0x2000  }
0x9f: {  	p1 =	por p1, p0;
	[sflag:s0] =	ssyncset.done @!p0 $0x0  }
0xa0: {  	p2 =	sgt.u32 @!p0 s22, $0x4D;
	[sflag:s0] =	ssyncadd.s32 @!p0 $0xFFFFE000;
	s0 =	simm.s32 @!p1 $0x4  }
0xa1: {  	p2 =	por p0, !p2;
	_ =	swait.ge @!p1 [sflag:s0], $0x100  }
.Ltmp5:
0xa2: {  	[sflag:s0] =	ssyncset.done @!p1 $0x0;
	(pc) =	sbr.rel @!p2 .LBB2_10-.Ltmp5, $4  }
0xa3: {  	[sflag:s0] =	ssyncadd.s32 @!p1 $0xFFFFFF00  }
0xa4: {  	_ =	swait.ge @!p1 [sflag:s0], $0x100  }
0xa5: {  	[sflag:s0] =	ssyncset.done @!p1 $0x0  }
0xa6: {  	[sflag:s0] =	ssyncadd.s32 @!p1 $0xFFFFFF00;
	s0 =	sand.u32 $0x1, s22  }
0xa7: {  	s6 =	sadd.s32 $0x2, s22  }
0xa8: {  	s15 =	smul.u32 $0xAB, s6;
	_ =	sdelay $0x1  }
0xa9: {  	s15 =	sshrl.u32 s15, $0x9  }
0xaa: {  	s15 =	sand.u32 $0x7F, s15  }
0xab: {  	s15 =	smul.u32 $0x3, s15  }
0xac: {  	s24 =	sshll.u32 s6, $0x8  }
0xad: {  	p1 =	sne.s32 @!p0 s22, $0x4F;
	s24 =	sadd.s32 s31, s24;
	s15 =	ssub.s32 s6, s15  }
0xae: {  	p2 =	por $0x1, $0x1;
	s24 =	sshrl.u32 s24, $0x3;
	s15 =	sand.u32 $0xFF, s15  }
0xaf: {  	p2 =	por @!p0 p1, p1;
	s16 =	sadd.s32 s1, s24;
	s15 =	sshll.u32 s15, $0x8  }
0xb0: {  	[tilespmem:s15], [sflag:$0x4] =	stream.linear.gather [hbm4b:s16+s7], $0x100, $0x38;
	[tilespmem:$0x1FE00] =	vst v63  }
.Ltmp6:
0xb1: {  	_ = 	snop;
	(pc) =	sbr.rel @p2 .LBB2_11-.Ltmp6, $4  }
.Ltmp7:
0xb2: {  	s6 =	sadd.s32 @!p0 $0x1, s22;
	(pc) =	sbr.rel @!p2 .LBB2_12-.Ltmp7, $4  }
0xb3: {  	s24 =	sadd.s32 s2, s24;
	s6 =	simm.s32 @p0 $0x1;
	s15 =	sadd.s32 $0x300, s15  }
0xb4: {  	[tilespmem:s15], [sflag:$0x4] =	stream.linear.gather [hbm4b:s24+s7], $0x100, $0x38;
	[tilespmem:$0x1FE00] =	vst v63  }
0xb5: {  	s15 =	smov.u32 s6  }
0xb6: {  	_ = 	snop  }
.LBB2_10:
0xb7: {  	p0 =	seq.s32 s22, $0x4F  }
.Ltmp8:
0xb8: {  	_ = 	snop;
	(pc) =	sbr.rel @p0 .LBB2_12-.Ltmp8, $4  }
.Ltmp9:
0xb9: {  	_ = 	snop;
	(pc) =	sbr.rel @!p0 .LBB2_11-.Ltmp9, $4  }
0xba: {  	_ = 	snop  }
0xbb: {  	_ = 	snop  }
0xbc: {  	s15 =	simm.s32 $0x50;
	s6 =	simm.s32 $0x4F  }
0xbd: {  	_ = 	snop  }
.LBB2_13:
0xbe: {  	_ =	swait.ge [sflag:s28], $0x2000  }
0xbf: {  	[sflag:s28] =	ssyncset.done $0x0  }
0xc0: {  	[sflag:s28] =	ssyncadd.s32 $0xFFFFE000  }
0xc1: {  	_ =	swait.ge [sflag:s28], $0x2000  }
0xc2: {  	[sflag:s28] =	ssyncset.done $0x0  }
0xc3: {  	[sflag:s28] =	ssyncadd.s32 $0xFFFFE000  }
0xc4: {  	_ =	swait.ge [sflag:s30], $0x800  }
0xc5: {  	s0 =	simm.s32 $0x9F;
	[sflag:s30] =	ssyncset.done $0x0  }
.LBB2_14:
0xc6: {  	p0 =	sne.s32 s0, $0x1;
	s0 =	sadd.s32 $0xFFFFFFFF, s0;
	[sflag:s30] =	ssyncadd.s32 $0xFFFFF800  }
.Ltmp10:
0xc7: {  	(pc) =	sbr.rel @p0 .LBB2_14-.Ltmp10, $3  }
0xc8: {  	_ =	sdelay $0x1  }
0xc9: {  	_ =	swait.ge [sflag:s30], $0x800  }
0xca: {  	[sflag:s30] =	ssyncset.done $0x0  }
0xcb: {  	[sflag:s30] =	ssyncadd.s32 $0xFFFFF800  }
0xcc: {  	s22 =	simm.s32 $0x0;
	[bflag:$0x0] =	sbarrier.arrive $0xFFFF  }
.LBB2_16:
0xcd: {  	s0 =	sshll.u32 s22, $0x7  }
0xce: {  	s0 =	sadd.s32 s8, s0  }
0xcf: {  	s6 =	sshll.u32 s0, $0x4  }
0xd0: {  	s6 =	sand.u32 $0x3FFFFFF0, s6  }
0xd1: {  	s6 =	sadd.s32 s6, s5  }
0xd2: {  	[tilespmem:s19], [sflag:$0x5] =	stream.linear.gather [spmem:s6], $0x800, $0x38;
	[tilespmem:$0x1FE00] =	vst v63  }
0xd3: {  	_ =	swait.ge [sflag:s17], $0x800  }
0xd4: {  	[sflag:s17] =	ssyncset.done $0x0  }
0xd5: {  	s24 =	simm.s32 $0x0;
	s15 =	simm.s32 $0x40;
	[sflag:s17] =	ssyncadd.s32 $0xFFFFF800  }
.LBB2_17:
0xd6: {  	p0 =	sne.s32 s15, $0x1FC0;
	v2 =	vld [tilespmem:s24+$0x600];
	_ =	sdelay $0x4  }
0xd7: {  	v2 =	vmax.f32 v2, $1.000000000e+00  }
0xd8: {  	(erf) = vrcp.f32 v2;
	_ =	sdelay $0x5  }
.Ltmp11:
0xd9: {  	(pc) =	sbr.rel @p0 .LBB2_17-.Ltmp11, $3  }
0xda: {  	_ =	sdelay $0x1  }
0xdb: {  	v2 =	vpop (erf)  }
0xdc: {  	[tilespmem:s24+$0x600] =	vst v2;
	s24 =	sshra.s32 s15, $0x2;
	s15 =	sadd.s32 $0x40, s15  }
0xdd: {  	v2 =	vld [tilespmem:s24+$0x600];
	_ =	sdelay $0x4  }
0xde: {  	v2 =	vmax.f32 v2, $1.000000000e+00  }
0xdf: {  	(erf) = vrcp.f32 v2;
	_ =	sdelay $0x8  }
0xe0: {  	v2 =	vpop (erf)  }
0xe1: {  	[tilespmem:s24+$0x600] =	vst v2  }
0xe2: {  	[spmem:s6] =	stream.linear.scatter [tilespmem:s19], [sflag:$0x5], $0x800, $0x38;
	[tilespmem:$0x1FE00] =	vst v63  }
0xe3: {  	s0 =	sshll.u32 s0, $0x6;
	_ =	swait.ge [sflag:s17], $0x800  }
0xe4: {  	s0 =	sand.u32 $0x3FFFFFC0, s0;
	[sflag:s17] =	ssyncset.done $0x0  }
0xe5: {  	s0 =	sadd.s32 s0, s4;
	[sflag:s17] =	ssyncadd.s32 $0xFFFFF800  }
0xe6: {  	[tilespmem:s18], [sflag:$0x5] =	stream.linear.gather [spmem:s0], $0x2000, $0x38;
	[tilespmem:$0x1FE00] =	vst v63  }
0xe7: {  	_ =	swait.ge [sflag:s17], $0x2000  }
0xe8: {  	[sflag:s17] =	ssyncset.done $0x0  }
0xe9: {  	s6 =	simm.s32 $0x1620;
	[sflag:s17] =	ssyncadd.s32 $0xFFFFE000  }
0xea: {  	v2 =	vld [tilespmem:s6+$0xFFFFFFF0]  }
0xeb: {  	v4 =	vld [tilespmem:s6+$0x10]  }
0xec: {  	s15 =	simm.s32 $0x0;
	v3 =	vld [tilespmem:s6+$0xFFFFFFE0]  }
0xed: {  	v6 =	vld [tilespmem:s15+$0x600]  }
0xee: {  	v7 =	vld [tilespmem:s6+$0x0];
	_ =	sdelay $0x3  }
0xef: {  	v3 =	vmul.f32 v3, v6;
	v5 =	vmul.f32 v4, v6  }
0xf0: {  	s24 =	simm.s32 $0x40;
	s15 =	simm.s32 $0x1620;
	v4 =	vmul.f32 v2, v6;
	v2 =	vmul.f32 v7, v6  }
.LBB2_19:
0xf1: {  	p0 =	sne.s32 s24, $0x1FC0  }
0xf2: {  	[tilespmem:s6+$0x10] =	vst v5;
	s15 =	sadd.s32 $0x40, s15;
	s16 =	smov.u32 s24;
	s24 =	sadd.s32 $0x40, s24  }
0xf3: {  	v6 =	vld [tilespmem:s15+$0xFFFFFFF0];
	[tilespmem:s6+$0xFFFFFFE0] =	vst v3  }
0xf4: {  	v5 =	vld [tilespmem:s15+$0x10];
	[tilespmem:s6+$0xFFFFFFF0] =	vst v4  }
0xf5: {  	s16 =	sshra.s32 s16, $0x2;
	v3 =	vld [tilespmem:s15+$0xFFFFFFE0];
	[tilespmem:s6+$0x0] =	vst v2;
	s6 =	smov.u32 s15  }
0xf6: {  	v2 =	vld [tilespmem:s16+$0x600]  }
0xf7: {  	v7 =	vld [tilespmem:s15+$0x0]  }
.Ltmp12:
0xf8: {  	(pc) =	sbr.rel @p0 .LBB2_19-.Ltmp12, $3  }
0xf9: {  	_ =	sdelay $0x1  }
0xfa: {  	v3 =	vmul.f32 v3, v2;
	v5 =	vmul.f32 v5, v2  }
0xfb: {  	v4 =	vmul.f32 v6, v2;
	v2 =	vmul.f32 v7, v2  }
0xfc: {  	[tilespmem:s6+$0x10] =	vst v5  }
0xfd: {  	[tilespmem:s6+$0xFFFFFFE0] =	vst v3;
	s22 =	sadd.s32 $0x1, s22  }
0xfe: {  	[tilespmem:s6+$0xFFFFFFF0] =	vst v4;
	p0 =	sne.s32 s22, $0x5  }
.Ltmp13:
0xff: {  	[tilespmem:s6+$0x0] =	vst v2;
	(pc) =	sbr.rel @p0 .LBB2_16-.Ltmp13, $4  }
0x100: {  	[spmem:s0] =	stream.linear.scatter [tilespmem:s18], [sflag:$0x5], $0x2000, $0x38;
	[tilespmem:$0x1FE00] =	vst v63  }
0x101: {  	_ =	swait.ge [sflag:s17], $0x2000  }
0x102: {  	[sflag:s17] =	ssyncset.done $0x0  }
0x103: {  	[sflag:s17] =	ssyncadd.s32 $0xFFFFE000  }
0x104: {  	s6 =	simm.s32 $0x100;
	s0 =	simm.s32 $0x0  }
.LBB2_22:
0x105: {  	p0 =	sne.s32 s6, $0x7F00;
	[tilespmem:s0+$0x1630] =	vst v0;
	s15 =	smov.u32 s6;
	s6 =	sadd.s32 $0x100, s6  }
.Ltmp14:
0x106: {  	[tilespmem:s0+$0x1620] =	vst v0;
	(pc) =	sbr.rel @p0 .LBB2_22-.Ltmp14, $3  }
0x107: {  	[tilespmem:s0+$0x1600] =	vst v0  }
0x108: {  	[tilespmem:s0+$0x1610] =	vst v0;
	_ =	sdelay $0x1  }
0x109: {  	s0 =	sshra.s32 s15, $0x2  }
0x10a: {  	[tilespmem:s0+$0x1630] =	vst v0  }
0x10b: {  	[tilespmem:s0+$0x1620] =	vst v0  }
0x10c: {  	[tilespmem:s0+$0x1600] =	vst v0  }
0x10d: {  	[tilespmem:s0+$0x1610] =	vst v0  }
0x10e: {  	[spmem:s14] =	stream.linear.scatter [tilespmem:s18], [sflag:$0x5], $0x2000, $0x38;
	[tilespmem:$0x1FE00] =	vst v63  }
0x10f: {  	_ =	swait.ge [sflag:s17], $0x2000  }
0x110: {  	[sflag:s17] =	ssyncset.done $0x0  }
0x111: {  	s15 =	rddreg [dreg:$0x16];
	[sflag:s17] =	ssyncadd.s32 $0xFFFFE000  }
0x112: {  	[spmem:s15] =	stream.linear.scatter [tilespmem:s18], [sflag:$0x5], $0x2000, $0x38;
	[tilespmem:$0x1FE00] =	vst v63  }
0x113: {  	_ =	swait.ge [sflag:s17], $0x2000  }
0x114: {  	[sflag:s17] =	ssyncset.done $0x0  }
0x115: {  	s16 =	rddreg [dreg:$0x17];
	[sflag:s17] =	ssyncadd.s32 $0xFFFFE000  }
0x116: {  	[spmem:s16] =	stream.linear.scatter [tilespmem:s18], [sflag:$0x5], $0x2000, $0x38;
	[tilespmem:$0x1FE00] =	vst v63  }
0x117: {  	_ =	swait.ge [sflag:s17], $0x2000  }
0x118: {  	[sflag:s17] =	ssyncset.done $0x0  }
0x119: {  	s22 =	rddreg [dreg:$0x18];
	[sflag:s17] =	ssyncadd.s32 $0xFFFFE000  }
0x11a: {  	[spmem:s22] =	stream.linear.scatter [tilespmem:s18], [sflag:$0x5], $0x2000, $0x38;
	[tilespmem:$0x1FE00] =	vst v63  }
0x11b: {  	_ =	swait.ge [sflag:s17], $0x2000  }
0x11c: {  	[sflag:s17] =	ssyncset.done $0x0  }
0x11d: {  	s24 =	rddreg [dreg:$0x19];
	[sflag:s17] =	ssyncadd.s32 $0xFFFFE000  }
0x11e: {  	[spmem:s24] =	stream.linear.scatter [tilespmem:s18], [sflag:$0x5], $0x2000, $0x38;
	[tilespmem:$0x1FE00] =	vst v63  }
0x11f: {  	_ =	swait.ge [sflag:s17], $0x2000  }
0x120: {  	[sflag:s17] =	ssyncset.done $0x0  }
0x121: {  	[sflag:s17] =	ssyncadd.s32 $0xFFFFE000  }
0x122: {  	s22 =	simm.s32 $0x0;
	[bflag:$0x0] =	sbarrier.arrive $0xFFFF  }
0x123: {  	[tilespmem:s22], [sflag:$0x5] =	stream.linear.gather [hbm4b:s10+s22], $0x100, $0x38;
	[tilespmem:$0x1FE00] =	vst v63  }
0x124: {  	_ =	swait.ge [sflag:s17], $0x100  }
0x125: {  	[sflag:s17] =	ssyncset.done $0x0  }
0x126: {  	s6 =	simm.s32 $0x300;
	[sflag:s17] =	ssyncadd.s32 $0xFFFFFF00  }
0x127: {  	[tilespmem:s6], [sflag:$0x5] =	stream.linear.gather [hbm4b:s11+s22], $0x100, $0x38;
	[tilespmem:$0x1FE00] =	vst v63  }
0x128: {  	_ =	swait.ge [sflag:s17], $0x100  }
0x129: {  	[sflag:s17] =	ssyncset.done $0x0  }
0x12a: {  	s15 =	simm.s32 $0x100;
	[sflag:s17] =	ssyncadd.s32 $0xFFFFFF00  }
0x12b: {  	[tilespmem:s15], [sflag:$0x5] =	stream.linear.gather [hbm4b:s12+s22], $0x100, $0x38;
	[tilespmem:$0x1FE00] =	vst v63  }
0x12c: {  	_ =	swait.ge [sflag:s17], $0x100  }
0x12d: {  	[sflag:s17] =	ssyncset.done $0x0  }
0x12e: {  	s16 =	simm.s32 $0x400;
	[sflag:s17] =	ssyncadd.s32 $0xFFFFFF00  }
0x12f: {  	[tilespmem:s16], [sflag:$0x5] =	stream.linear.gather [hbm4b:s13+s22], $0x100, $0x38;
	[tilespmem:$0x1FE00] =	vst v63  }
0x130: {  	_ =	swait.ge [sflag:s17], $0x100  }
.Ltmp15:
0x131: {  	[sflag:s17] =	ssyncset.done $0x0;
	(pc) =	sbr.rel .LBB2_24-.Ltmp15, $4  }
0x132: {  	[sflag:s17] =	ssyncadd.s32 $0xFFFFFF00  }
0x133: {  	[tilespmem:s18], [sflag:$0x1] =	stream.indirect.gather [spmem:s4], $0x40, s22, s23, $0xb8;
	[tilespmem:$0x1FE00] =	vst v63  }
0x134: {  	s24 =	simm.s32 $0x3600  }
0x135: {  	[tilespmem:s24], [sflag:$0x1] =	stream.indirect.gather [spmem:s4], $0x40, s23, s23, $0xb8;
	[tilespmem:$0x1FE00] =	vst v63  }
.LBB2_27:
0x136: {  	s15 =	sand.u32 $0xFF, s6  }
0x137: {  	s15 =	smul.u32 $0xAB, s15;
	_ =	sdelay $0x1  }
0x138: {  	s15 =	sshrl.u32 s15, $0x9  }
0x139: {  	s15 =	smul.u32 $0x3, s15;
	_ =	sdelay $0x1  }
0x13a: {  	s15 =	ssub.s32 s6, s15  }
0x13b: {  	s16 =	sshll.u32 s0, $0xE;
	s15 =	sand.u32 $0xFF, s15  }
0x13c: {  	s24 =	sxor.u32 $0x5600, s16;
	s15 =	sshll.u32 s15, $0x8  }
0x13d: {  	[tilespmem:s24], [sflag:$0x1] =	stream.indirect.gather [spmem:s4], $0x40, s15, s23, $0xb8;
	[tilespmem:$0x1FE00] =	vst v63  }
0x13e: {  	s16 =	sxor.u32 $0x7600, s16;
	s15 =	sor.u32 $0x80, s15  }
0x13f: {  	[tilespmem:s16], [sflag:$0x1] =	stream.indirect.gather [spmem:s4], $0x40, s15, s23, $0xb8;
	[tilespmem:$0x1FE00] =	vst v63  }
0x140: {  	s15 =	smov.u32 s6  }
.LBB2_28:
0x141: {  	s6 =	smul.u32 $0xAB, s22;
	_ =	sdelay $0x1  }
0x142: {  	s6 =	sshrl.u32 s6, $0x9  }
0x143: {  	s6 =	sand.u32 $0x7F, s6  }
0x144: {  	s6 =	smul.u32 $0x3, s6;
	_ =	sdelay $0x1  }
0x145: {  	s6 =	ssub.s32 s22, s6  }
0x146: {  	p0 =	slt.u32 s15, $0x50;
	s6 =	sand.u32 $0xFF, s6  }
.Ltmp16:
0x147: {  	s0 =	sshll.u32 s0, $0xE;
	s6 =	sshll.u32 s6, $0x8;
	(pc) =	sbr.rel @!p0 .LBB2_29-.Ltmp16, $4  }
0x148: {  	s16 =	sor.u32 $0x1600, s0;
	s24 =	sadd.s32 $0x300, s6  }
0x149: {  	[spmem:s3] =	stream.indirect.scatter.add.f32 [tilespmem:s16], [sflag:$0x2], $0x40, s24, s23, $0xb8;
	[tilespmem:$0x1FE00] =	vst v63  }
0x14a: {  	s0 =	sor.u32 $0x3600, s0;
	s22 =	smov.u32 s15;
	s6 =	sadd.s32 $0x380, s6  }
0x14b: {  	[spmem:s3] =	stream.indirect.scatter.add.f32 [tilespmem:s0], [sflag:$0x2], $0x40, s6, s23, $0xb8;
	[tilespmem:$0x1FE00] =	vst v63  }
.LBB2_24:
0x14c: {  	_ =	swait.ge [sflag:s25], $0x2000  }
0x14d: {  	[sflag:s25] =	ssyncset.done $0x0  }
0x14e: {  	[sflag:s25] =	ssyncadd.s32 $0xFFFFE000  }
0x14f: {  	_ =	swait.ge [sflag:s25], $0x2000  }
0x150: {  	p0 =	seq.s32 s22, $0x0;
	[sflag:s25] =	ssyncset.done $0x0  }
0x151: {  	s0 =	simm.s32 @!p0 $0x2;
	[sflag:s25] =	ssyncadd.s32 $0xFFFFE000  }
0x152: {  	_ =	swait.ge @!p0 [sflag:s0], $0x2000  }
0x153: {  	[sflag:s0] =	ssyncset.done @!p0 $0x0  }
0x154: {  	[sflag:s0] =	ssyncadd.s32 @!p0 $0xFFFFE000  }
0x155: {  	p1 =	seq.s32 @!p0 s22, $0x4F;
	_ =	swait.ge @!p0 [sflag:s0], $0x2000  }
0x156: {  	p1 =	por p1, p0;
	[sflag:s0] =	ssyncset.done @!p0 $0x0  }
0x157: {  	p2 =	sgt.u32 @!p0 s22, $0x4D;
	[sflag:s0] =	ssyncadd.s32 @!p0 $0xFFFFE000;
	s0 =	simm.s32 @!p1 $0x4  }
0x158: {  	p2 =	por p0, !p2;
	_ =	swait.ge @!p1 [sflag:s0], $0x100  }
.Ltmp17:
0x159: {  	[sflag:s0] =	ssyncset.done @!p1 $0x0;
	(pc) =	sbr.rel @!p2 .LBB2_26-.Ltmp17, $4  }
0x15a: {  	[sflag:s0] =	ssyncadd.s32 @!p1 $0xFFFFFF00  }
0x15b: {  	_ =	swait.ge @!p1 [sflag:s0], $0x100  }
0x15c: {  	[sflag:s0] =	ssyncset.done @!p1 $0x0  }
0x15d: {  	[sflag:s0] =	ssyncadd.s32 @!p1 $0xFFFFFF00;
	s0 =	sand.u32 $0x1, s22  }
0x15e: {  	s6 =	sadd.s32 $0x2, s22  }
0x15f: {  	s15 =	smul.u32 $0xAB, s6;
	_ =	sdelay $0x1  }
0x160: {  	s15 =	sshrl.u32 s15, $0x9  }
0x161: {  	s15 =	sand.u32 $0x7F, s15  }
0x162: {  	s15 =	smul.u32 $0x3, s15  }
0x163: {  	s16 =	sshll.u32 s6, $0x8  }
0x164: {  	p1 =	sne.s32 @!p0 s22, $0x4F;
	s16 =	sadd.s32 s31, s16;
	s15 =	ssub.s32 s6, s15  }
0x165: {  	p2 =	por $0x1, $0x1;
	s16 =	sshrl.u32 s16, $0x3;
	s15 =	sand.u32 $0xFF, s15  }
0x166: {  	p2 =	por @!p0 p1, p1;
	s24 =	sadd.s32 s1, s16;
	s15 =	sshll.u32 s15, $0x8  }
0x167: {  	[tilespmem:s15], [sflag:$0x4] =	stream.linear.gather [hbm4b:s24+s7], $0x100, $0x38;
	[tilespmem:$0x1FE00] =	vst v63  }
.Ltmp18:
0x168: {  	_ = 	snop;
	(pc) =	sbr.rel @p2 .LBB2_27-.Ltmp18, $4  }
.Ltmp19:
0x169: {  	s6 =	sadd.s32 @!p0 $0x1, s22;
	(pc) =	sbr.rel @!p2 .LBB2_28-.Ltmp19, $4  }
0x16a: {  	s16 =	sadd.s32 s2, s16;
	s6 =	simm.s32 @p0 $0x1;
	s15 =	sadd.s32 $0x300, s15  }
0x16b: {  	[tilespmem:s15], [sflag:$0x4] =	stream.linear.gather [hbm4b:s16+s7], $0x100, $0x38;
	[tilespmem:$0x1FE00] =	vst v63  }
0x16c: {  	s15 =	smov.u32 s6  }
0x16d: {  	_ = 	snop  }
.LBB2_26:
0x16e: {  	p0 =	seq.s32 s22, $0x4F  }
.Ltmp20:
0x16f: {  	_ = 	snop;
	(pc) =	sbr.rel @p0 .LBB2_28-.Ltmp20, $4  }
.Ltmp21:
0x170: {  	_ = 	snop;
	(pc) =	sbr.rel @!p0 .LBB2_27-.Ltmp21, $4  }
0x171: {  	_ = 	snop  }
0x172: {  	_ = 	snop  }
0x173: {  	s15 =	simm.s32 $0x50;
	s6 =	simm.s32 $0x4F  }
0x174: {  	_ = 	snop  }
.LBB2_29:
0x175: {  	_ =	swait.ge [sflag:s28], $0x2000  }
0x176: {  	[sflag:s28] =	ssyncset.done $0x0  }
0x177: {  	[sflag:s28] =	ssyncadd.s32 $0xFFFFE000  }
0x178: {  	_ =	swait.ge [sflag:s28], $0x2000  }
0x179: {  	[sflag:s28] =	ssyncset.done $0x0  }
0x17a: {  	[sflag:s28] =	ssyncadd.s32 $0xFFFFE000  }
0x17b: {  	s22 =	simm.s32 $0x0;
	[bflag:$0x0] =	sbarrier.arrive $0xFFFF  }
.LBB2_30:
0x17c: {  	s0 =	sshll.u32 s22, $0x7  }
0x17d: {  	s0 =	sadd.s32 s8, s0  }
0x17e: {  	s6 =	sshll.u32 s0, $0x6  }
0x17f: {  	s15 =	sshra.s32 s6, $0x2  }
0x180: {  	s15 =	sadd.s32 s15, s5  }
0x181: {  	[tilespmem:s19], [sflag:$0x6] =	stream.linear.gather [spmem:s15], $0x800, $0x38;
	[tilespmem:$0x1FE00] =	vst v63  }
0x182: {  	_ =	swait.ge [sflag:s20], $0x800  }
0x183: {  	s6 =	sand.u32 $0x3FFFFFC0, s6;
	[sflag:s20] =	ssyncset.done $0x0  }
0x184: {  	s6 =	sadd.s32 s6, s3;
	[sflag:s20] =	ssyncadd.s32 $0xFFFFF800  }
0x185: {  	[tilespmem:s18], [sflag:$0x6] =	stream.linear.gather [spmem:s6], $0x2000, $0x38;
	[tilespmem:$0x1FE00] =	vst v63  }
0x186: {  	_ =	swait.ge [sflag:s20], $0x2000  }
0x187: {  	[sflag:s20] =	ssyncset.done $0x0  }
0x188: {  	s6 =	simm.s32 $0x1620;
	[sflag:s20] =	ssyncadd.s32 $0xFFFFE000  }
0x189: {  	v2 =	vld [tilespmem:s6+$0xFFFFFFF0]  }
0x18a: {  	v4 =	vld [tilespmem:s6+$0x10]  }
0x18b: {  	s24 =	simm.s32 $0x0;
	v3 =	vld [tilespmem:s6+$0xFFFFFFE0]  }
0x18c: {  	v6 =	vld [tilespmem:s24+$0x600]  }
0x18d: {  	v7 =	vld [tilespmem:s6+$0x0];
	_ =	sdelay $0x3  }
0x18e: {  	v3 =	vmul.f32 v3, v6;
	v5 =	vmul.f32 v4, v6  }
0x18f: {  	s15 =	simm.s32 $0x1620;
	s24 =	simm.s32 $0x40;
	v4 =	vmul.f32 v2, v6;
	v2 =	vmul.f32 v7, v6  }
.LBB2_31:
0x190: {  	p0 =	sne.s32 s24, $0x1FC0  }
0x191: {  	[tilespmem:s6+$0x10] =	vst v5;
	s15 =	sadd.s32 $0x40, s15;
	s16 =	smov.u32 s24;
	s24 =	sadd.s32 $0x40, s24  }
0x192: {  	v6 =	vld [tilespmem:s15+$0xFFFFFFF0];
	[tilespmem:s6+$0xFFFFFFE0] =	vst v3  }
0x193: {  	v5 =	vld [tilespmem:s15+$0x10];
	[tilespmem:s6+$0xFFFFFFF0] =	vst v4  }
0x194: {  	s16 =	sshra.s32 s16, $0x2;
	v3 =	vld [tilespmem:s15+$0xFFFFFFE0];
	[tilespmem:s6+$0x0] =	vst v2;
	s6 =	smov.u32 s15  }
0x195: {  	v2 =	vld [tilespmem:s16+$0x600]  }
0x196: {  	v7 =	vld [tilespmem:s15+$0x0]  }
.Ltmp22:
0x197: {  	(pc) =	sbr.rel @p0 .LBB2_31-.Ltmp22, $3  }
0x198: {  	_ =	sdelay $0x1  }
0x199: {  	v3 =	vmul.f32 v3, v2;
	v5 =	vmul.f32 v5, v2  }
0x19a: {  	v4 =	vmul.f32 v6, v2;
	v2 =	vmul.f32 v7, v2  }
0x19b: {  	[tilespmem:s6+$0x10] =	vst v5  }
0x19c: {  	[tilespmem:s6+$0xFFFFFFE0] =	vst v3;
	s22 =	sadd.s32 $0x1, s22  }
0x19d: {  	s0 =	sshll.u32 s0, $0x3;
	[tilespmem:s6+$0xFFFFFFF0] =	vst v4;
	p0 =	sne.s32 s22, $0x5  }
.Ltmp23:
0x19e: {  	[tilespmem:s6+$0x0] =	vst v2;
	s0 =	sadd.s32 s9, s0;
	(pc) =	sbr.rel @p0 .LBB2_30-.Ltmp23, $4  }
0x19f: {  	[hbm4b:s0+s7] =	stream.linear.scatter [tilespmem:s18], [sflag:s29], $0x2000, $0x38;
	[tilespmem:$0x1FE00] =	vst v63  }
0x1a0: {  	_ =	swait.ge [sflag:s29], $0x2000  }
0x1a1: {  	[sflag:s29] =	ssyncset.done $0x0  }
0x1a2: {  	[sflag:s29] =	ssyncadd.s32 $0xFFFFE000  }
0x1a3: {  	s21 =	sadd.s32 $0x1, s21;
	s0 =	rddreg [dreg:$0x8]  }
0x1a4: {  	p0 =	sne.s32 s21, s0  }
.Ltmp24:
0x1a5: {  	_ = 	snop;
	(pc) =	sbr.rel @p0 .LBB2_1-.Ltmp24, $1  }
0x1a6: {  	_ =	sdelay $0x3  }
0x1a7: {  	_ =	sfence.sel $0x180000  }
0x1a8: {  	[bflag:$0x0] =	sbarrier.arrive $0xFFFF  }
0x1a9: {  	_ =	strace $0x90000047  }
0x1aa: {  	s0 =	stileid.u32;
	[bflag:$0x2] =	sbarrier.arrive $0xFFFF  }
0x1ab: {  	p0 =	sne.s32 s0, $0x0;
	s0 =	rddreg [dreg:$0x7]  }
0x1ac: {  	s0 =	sadd.s32 @!p0 $0x100000, s0  }
0x1ad: {  	[sflag:s0] =	ssyncadd.tile.s32 @!p0 $0x1;
	_ =	shalt  }
.Lfunc_end2:
_tile_overlayer_lowered:
.L_overlay_start_2:
0x1ae: {  	(tag) =	ssettag $0x2  }
0x1af: {  	s0 =	rddreg [dreg:$0x0];
	s2 =	stileid.u32  }
0x1b0: {  	s1 =	rddreg [dreg:$0x1];
	p0 =	sne.s32 s2, $0x0  }
0x1b1: {  	s3 =	rddreg [dreg:$0x2];
	[bflag:$0x3] =	sbarrier.arrive $0xFFFF;
	s2 =	simm.s32 @!p0 $0x1C05  }
0x1b2: {  	[timem:s3], [sflag:s2] =	dma.local @!p0 [hbm:s0], s1  }
0x1b3: {  	s0 =	simm.s32 @!p0 $0x5  }
0x1b4: {  	_ =	swait.ge @!p0 [sflag:s0], s1  }
0x1b5: {  	s1 =	ssub.s32 @!p0 $0x0, s1;
	[sflag:s0] =	ssyncset.done @!p0 $0x0  }
0x1b6: {  	[sflag:s0] =	ssyncadd.s32 @!p0 s1  }
0x1b7: {  	[bflag:$0x3] =	sbarrier.arrive $0xFFFF  }
0x1b8: {  	_ =	shalt  }

</sc_bundles>
